<compile_context>
chip_gen: v7x
topology: tpu7x:2x2x1
jax: 0.10.2.dev20260603
libtpu: 0.0.44.dev20260713+nightly
codegen_flags: <defaults>
</compile_context>

<pallas_src>
import jax
import jax.numpy as jnp
import numpy as np
from jax.experimental import pallas as pl
from jax.experimental.pallas import tpu as pltpu

_N = 5000
_C = 21
_M = 2000
_MP = 2048
_DETS = 100
_TILE = 256
_IMG = 800.0
_OFF = 801.0
_CLIP = float(np.log(1000.0 / 16.0))


def _prep_kernel(logits_ref, dx_ref, dy_ref, dw_ref, dh_ref, prop_ref,
                 ms_ref, bx1_ref, by1_ref, bx2_ref, by2_ref):
    logits = logits_ref[...]
    mx = jnp.max(logits, axis=0, keepdims=True)
    e = jnp.exp(logits - mx)
    s = e / jnp.sum(e, axis=0, keepdims=True)

    px1 = prop_ref[0:1, :]
    py1 = prop_ref[1:2, :]
    px2 = prop_ref[2:3, :]
    py2 = prop_ref[3:4, :]
    w = px2 - px1
    h = py2 - py1
    cx = px1 + 0.5 * w
    cy = py1 + 0.5 * h

    dx = dx_ref[...] / 10.0
    dy = dy_ref[...] / 10.0
    dw = jnp.minimum(dw_ref[...] / 5.0, _CLIP)
    dh = jnp.minimum(dh_ref[...] / 5.0, _CLIP)

    pcx = dx * w + cx
    pcy = dy * h + cy
    pw = jnp.exp(dw) * w
    ph = jnp.exp(dh) * h

    x1 = jnp.clip(pcx - 0.5 * pw, 0.0, _IMG)
    y1 = jnp.clip(pcy - 0.5 * ph, 0.0, _IMG)
    x2 = jnp.clip(pcx + 0.5 * pw, 0.0, _IMG)
    y2 = jnp.clip(pcy + 0.5 * ph, 0.0, _IMG)

    ws = x2 - x1
    hs = y2 - y1
    valid = (s > 0.05) & (ws >= 1e-2) & (hs >= 1e-2)
    ms_ref[...] = jnp.where(valid, s, 0.0)
    bx1_ref[...] = x1
    by1_ref[...] = y1
    bx2_ref[...] = x2
    by2_ref[...] = y2


def _nms_kernel(data_r_ref, data_c_ref, out_ref, m_ref):
    rx1 = data_r_ref[0:1, :]
    ry1 = data_r_ref[1:2, :]
    rx2 = data_r_ref[2:3, :]
    ry2 = data_r_ref[3:4, :]
    score = data_r_ref[4:5, :]
    lab_r = data_r_ref[5:6, :]
    off_r = lab_r * _OFF
    ox1_r = rx1 + off_r
    oy1_r = ry1 + off_r
    ox2_r = rx2 + off_r
    oy2_r = ry2 + off_r
    area_r = jnp.clip(ox2_r - ox1_r, 0.0) * jnp.clip(oy2_r - oy1_r, 0.0)
    ivec = jax.lax.broadcasted_iota(jnp.int32, (1, _MP), 1)

    for t in range(_MP // _TILE):
        r0 = t * _TILE
        cx1 = data_c_ref[pl.ds(r0, _TILE), 0:1]
        cy1 = data_c_ref[pl.ds(r0, _TILE), 1:2]
        cx2 = data_c_ref[pl.ds(r0, _TILE), 2:3]
        cy2 = data_c_ref[pl.ds(r0, _TILE), 3:4]
        lab_c = data_c_ref[pl.ds(r0, _TILE), 5:6]
        off_c = lab_c * _OFF
        ox1_c = cx1 + off_c
        oy1_c = cy1 + off_c
        ox2_c = cx2 + off_c
        oy2_c = cy2 + off_c
        area_c = jnp.clip(ox2_c - ox1_c, 0.0) * jnp.clip(oy2_c - oy1_c, 0.0)
        ltx = jnp.maximum(ox1_c, ox1_r[:, r0:])
        lty = jnp.maximum(oy1_c, oy1_r[:, r0:])
        rbx = jnp.minimum(ox2_c, ox2_r[:, r0:])
        rby = jnp.minimum(oy2_c, oy2_r[:, r0:])
        whx = jnp.clip(rbx - ltx, 0.0)
        why = jnp.clip(rby - lty, 0.0)
        inter = whx * why
        union = area_c + area_r[:, r0:] - inter
        iou = inter / jnp.maximum(union, 1e-9)
        jvec = r0 + jax.lax.broadcasted_iota(jnp.int32, (_TILE, 1), 0)
        cond = (iou > 0.5) & (jvec < ivec[:, r0:])
        if r0:
            m_ref[pl.ds(r0, _TILE), :r0] = jnp.zeros(
                (_TILE, r0), jnp.bfloat16)
        m_ref[pl.ds(r0, _TILE), r0:] = cond.astype(jnp.bfloat16)

    init = (score > 0.0).astype(jnp.float32)

    def cond_fn(state):
        it, _, changed = state
        return changed & (it < _MP)

    def body_fn(state):
        it, keep, _ = state
        sup = jax.lax.dot_general(
            keep.astype(jnp.bfloat16), m_ref[...],
            (((1,), (0,)), ((), ())),
            preferred_element_type=jnp.float32)
        new = init * (sup < 0.5).astype(jnp.float32)
        changed = jnp.any(new != keep)
        return it + 1, new, changed

    _, keep, _ = jax.lax.while_loop(
        cond_fn, body_fn, (jnp.int32(0), init, jnp.bool_(True)))

    out_ref[...] = keep * score


@jax.jit
def kernel(class_logits, box_regression, proposals):
    deltas = box_regression.reshape(_N, _C, 4)
    dx = deltas[..., 0].T
    dy = deltas[..., 1].T
    dw = deltas[..., 2].T
    dh = deltas[..., 3].T

    ms, bx1, by1, bx2, by2 = pl.pallas_call(
        _prep_kernel,
        out_shape=[jax.ShapeDtypeStruct((_C, _N), jnp.float32)] * 5,
    )(class_logits.T, dx, dy, dw, dh, proposals.T)

    flat_scores = ms.T[:, 1:].reshape(-1)
    top_scores, top_idx = jax.lax.top_k(flat_scores, _M)
    labels = (top_idx % (_C - 1) + 1).astype(jnp.float32)
    cm_idx = (top_idx % (_C - 1)) * _N + top_idx // (_C - 1)

    cx1 = bx1[1:, :].reshape(-1)[cm_idx]
    cy1 = by1[1:, :].reshape(-1)[cm_idx]
    cx2 = bx2[1:, :].reshape(-1)[cm_idx]
    cy2 = by2[1:, :].reshape(-1)[cm_idx]

    def pad(v):
        return jnp.pad(v, (0, _MP - _M))

    data_r = jnp.stack([
        pad(cx1), pad(cy1), pad(cx2), pad(cy2),
        pad(top_scores),
        pad(labels),
        jnp.zeros((_MP,), jnp.float32),
        jnp.zeros((_MP,), jnp.float32),
    ], axis=0)
    data_c = data_r.T

    final_scores = pl.pallas_call(
        _nms_kernel,
        out_shape=jax.ShapeDtypeStruct((1, _MP), jnp.float32),
        scratch_shapes=[pltpu.VMEM((_MP, _MP), jnp.bfloat16)],
        compiler_params=pltpu.CompilerParams(
            vmem_limit_bytes=64 * 1024 * 1024),
    )(data_r, data_c)[0, :_M]

    det_scores, det_idx = jax.lax.top_k(final_scores, _DETS)
    det_boxes = jnp.stack(
        [cx1[det_idx], cy1[det_idx], cx2[det_idx], cy2[det_idx]], axis=-1)
    det_labels = (top_idx[det_idx] % (_C - 1) + 1).astype(jnp.int32)
    return det_boxes, det_scores, det_labels

# --- scband reference (transcript-rebuilt; emitter-appended) ---
"""Pipeline reference for scband-ro-iheads-48163763258067 (READ-ONLY COPY).

The authoritative reference and input builder live on the scoring server;
editing this copy changes nothing except your own understanding.
"""

import jax, jax.numpy as jnp
import numpy as np

N = 5000
NUM_CLASSES = 21
BBOX_W = (10.0, 10.0, 5.0, 5.0)
SCORE_THRESH = 0.05
NMS_THRESH = 0.5
DET_PER_IMG = 100
PRE_NMS_TOPK = 2000
IMG_H = 800.0
IMG_W = 800.0


def setup_inputs(seed: int = 0) -> dict:
    key = jax.random.key(seed)
    k1, k2, k3, k4, k5, k6 = jax.random.split(key, 6)
    class_logits = jax.random.normal(k1, (N, NUM_CLASSES), dtype=jnp.float32)
    box_regression = jax.random.normal(k2, (N, NUM_CLASSES * 4), dtype=jnp.float32)
    x1 = jax.random.uniform(k3, (N,), minval=0.0, maxval=IMG_W - 64.0)
    y1 = jax.random.uniform(k4, (N,), minval=0.0, maxval=IMG_H - 64.0)
    w = jax.random.uniform(k5, (N,), minval=8.0, maxval=64.0)
    h = jax.random.uniform(k6, (N,), minval=8.0, maxval=64.0)
    proposals = jnp.stack([x1, y1, x1 + w, y1 + h], axis=1).astype(jnp.float32)
    return {"class_logits": class_logits, "box_regression": box_regression, "proposals": proposals}


def decode_boxes(deltas, proposals, weights):
    # deltas: [N, C, 4], proposals: [N, 4] -> [N, C, 4]  (torchvision BoxCoder.decode)
    wx, wy, ww, wh = weights
    widths = proposals[:, 2] - proposals[:, 0]
    heights = proposals[:, 3] - proposals[:, 1]
    ctr_x = proposals[:, 0] + 0.5 * widths
    ctr_y = proposals[:, 1] + 0.5 * heights
    dx = deltas[..., 0] / wx
    dy = deltas[..., 1] / wy
    dw = deltas[..., 2] / ww
    dh = deltas[..., 3] / wh
    bbox_xform_clip = float(np.log(1000.0 / 16.0))
    dw = jnp.minimum(dw, bbox_xform_clip)
    dh = jnp.minimum(dh, bbox_xform_clip)
    pred_ctr_x = dx * widths[:, None] + ctr_x[:, None]
    pred_ctr_y = dy * heights[:, None] + ctr_y[:, None]
    pred_w = jnp.exp(dw) * widths[:, None]
    pred_h = jnp.exp(dh) * heights[:, None]
    x1 = pred_ctr_x - 0.5 * pred_w
    y1 = pred_ctr_y - 0.5 * pred_h
    x2 = pred_ctr_x + 0.5 * pred_w
    y2 = pred_ctr_y + 0.5 * pred_h
    return jnp.stack([x1, y1, x2, y2], axis=-1)


def pairwise_iou(a, b):
    area_a = jnp.clip(a[:, 2] - a[:, 0], 0.0) * jnp.clip(a[:, 3] - a[:, 1], 0.0)
    area_b = jnp.clip(b[:, 2] - b[:, 0], 0.0) * jnp.clip(b[:, 3] - b[:, 1], 0.0)
    lt = jnp.maximum(a[:, None, :2], b[None, :, :2])
    rb = jnp.minimum(a[:, None, 2:], b[None, :, 2:])
    wh = jnp.clip(rb - lt, 0.0)
    inter = wh[..., 0] * wh[..., 1]
    union = area_a[:, None] + area_b[None, :] - inter
    return inter / jnp.maximum(union, 1e-9)


@jax.jit
def reference(class_logits, box_regression, proposals):
    # RoIHeads.postprocess_detections (single-image inference path)
    n, c = class_logits.shape
    scores = jax.nn.softmax(class_logits, axis=-1)
    deltas = box_regression.reshape(n, c, 4)
    boxes = decode_boxes(deltas, proposals, BBOX_W)
    # clip_boxes_to_image
    boxes = jnp.stack([
        jnp.clip(boxes[..., 0], 0.0, IMG_W),
        jnp.clip(boxes[..., 1], 0.0, IMG_H),
        jnp.clip(boxes[..., 2], 0.0, IMG_W),
        jnp.clip(boxes[..., 3], 0.0, IMG_H),
    ], axis=-1)
    # drop background class 0
    boxes_fg = boxes[:, 1:, :]
    scores_fg = scores[:, 1:]
    labels = jnp.broadcast_to(jnp.arange(1, c, dtype=jnp.int32), (n, c - 1))
    flat_boxes = boxes_fg.reshape(-1, 4)
    flat_scores = scores_fg.reshape(-1)
    flat_labels = labels.reshape(-1)
    # remove low-scoring and degenerate-small boxes (mask instead of dynamic filter)
    ws = flat_boxes[:, 2] - flat_boxes[:, 0]
    hs = flat_boxes[:, 3] - flat_boxes[:, 1]
    valid = (flat_scores > SCORE_THRESH) & (ws >= 1e-2) & (hs >= 1e-2)
    flat_scores = jnp.where(valid, flat_scores, 0.0)
    # pre-NMS top-k candidates (sorted descending by score)
    top_scores, top_idx = jax.lax.top_k(flat_scores, PRE_NMS_TOPK)
    cand_boxes = flat_boxes[top_idx]
    cand_labels = flat_labels[top_idx]
    # batched (class-aware) NMS via per-class coordinate offsets
    offset = cand_labels.astype(cand_boxes.dtype)[:, None] * (max(IMG_H, IMG_W) + 1.0)
    nms_boxes = cand_boxes + offset
    iou = pairwise_iou(nms_boxes, nms_boxes)
    m = PRE_NMS_TOPK
    idx_range = jnp.arange(m)

    def body(i, keep):
        sup = (iou[i] > NMS_THRESH) & (idx_range > i) & keep[i]
        return keep & (~sup)

    keep = jax.lax.fori_loop(0, m, body, top_scores > 0.0)
    final_scores = jnp.where(keep, top_scores, 0.0)
    det_scores, det_idx = jax.lax.top_k(final_scores, DET_PER_IMG)
    det_boxes = cand_boxes[det_idx]
    det_labels = cand_labels[det_idx]
    return det_boxes, det_scores, det_labels


if False:  # reference __main__ guard neutralized (emitter)
    inp = setup_inputs()
    out = reference(**inp)
    print([o.shape for o in out])

if __name__ == "__main__":
    import jax
    _d = setup_inputs()
    print(jax.jit(kernel)(*tuple(_d.values())))

</pallas_src>

<mosaic_0001>
module attributes {stable_mosaic.version = 14 : i64} {
  func.func @_prep_kernel(%arg0: memref<21x5000xf32, #tpu.memory_space<vmem>>, %arg1: memref<21x5000xf32, #tpu.memory_space<vmem>>, %arg2: memref<21x5000xf32, #tpu.memory_space<vmem>>, %arg3: memref<21x5000xf32, #tpu.memory_space<vmem>>, %arg4: memref<21x5000xf32, #tpu.memory_space<vmem>>, %arg5: memref<4x5000xf32, #tpu.memory_space<vmem>>, %arg6: memref<21x5000xf32, #tpu.memory_space<vmem>>, %arg7: memref<21x5000xf32, #tpu.memory_space<vmem>>, %arg8: memref<21x5000xf32, #tpu.memory_space<vmem>>, %arg9: memref<21x5000xf32, #tpu.memory_space<vmem>>, %arg10: memref<21x5000xf32, #tpu.memory_space<vmem>>) attributes {dimension_semantics = [], scalar_prefetch = 0 : i64, scratch_operands = 0 : i64, tpu.core_type = #tpu.core_type<tc>} {
    %get3A = arith.constant 0 : index
    %get3A_0 = arith.constant 0 : index
    %get3A_1 = vector.load %arg0[%get3A, %get3A_0] : memref<21x5000xf32, #tpu.memory_space<vmem>>, vector<21x5000xf32>
    %reduce_max3A = arith.constant dense<0xFF800000> : vector<5000xf32>
    %reduce_max3A_2 = vector.multi_reduction <maximumf>, %get3A_1, %reduce_max3A [0] : vector<21x5000xf32> to vector<5000xf32>
    %broadcast_in_dim3A = vector.shape_cast %reduce_max3A_2 : vector<5000xf32> to vector<1x5000xf32>
    %sub3A = vector.broadcast %broadcast_in_dim3A : vector<1x5000xf32> to vector<21x5000xf32>
    %sub3A_3 = arith.subf %get3A_1, %sub3A : vector<21x5000xf32>
    %exp3A = math.exp %sub3A_3 : vector<21x5000xf32>
    %reduce_sum3A = arith.constant dense<0.000000e+00> : vector<5000xf32>
    %reduce_sum3A_4 = vector.multi_reduction <add>, %exp3A, %reduce_sum3A [0] : vector<21x5000xf32> to vector<5000xf32>
    %broadcast_in_dim3A_5 = vector.shape_cast %reduce_sum3A_4 : vector<5000xf32> to vector<1x5000xf32>
    %div3A = vector.broadcast %broadcast_in_dim3A_5 : vector<1x5000xf32> to vector<21x5000xf32>
    %div3A_6 = arith.divf %exp3A, %div3A : vector<21x5000xf32>
    %get3A_7 = arith.constant 0 : index
    %get3A_8 = arith.constant 0 : index
    %get3A_9 = vector.load %arg5[%get3A_7, %get3A_8] : memref<4x5000xf32, #tpu.memory_space<vmem>>, vector<1x5000xf32>
    %get3A_10 = arith.constant 1 : index
    %get3A_11 = arith.constant 0 : index
    %get3A_12 = vector.load %arg5[%get3A_10, %get3A_11] : memref<4x5000xf32, #tpu.memory_space<vmem>>, vector<1x5000xf32>
    %get3A_13 = arith.constant 2 : index
    %get3A_14 = arith.constant 0 : index
    %get3A_15 = vector.load %arg5[%get3A_13, %get3A_14] : memref<4x5000xf32, #tpu.memory_space<vmem>>, vector<1x5000xf32>
    %get3A_16 = arith.constant 3 : index
    %get3A_17 = arith.constant 0 : index
    %get3A_18 = vector.load %arg5[%get3A_16, %get3A_17] : memref<4x5000xf32, #tpu.memory_space<vmem>>, vector<1x5000xf32>
    %sub3A_19 = arith.subf %get3A_15, %get3A_9 : vector<1x5000xf32>
    %sub3A_20 = arith.subf %get3A_18, %get3A_12 : vector<1x5000xf32>
    %mul3A = arith.constant 5.000000e-01 : f32
    %mul3A_21 = vector.broadcast %mul3A : f32 to vector<1x5000xf32>
    %mul3A_22 = arith.mulf %mul3A_21, %sub3A_19 : vector<1x5000xf32>
    %add3A = arith.addf %get3A_9, %mul3A_22 : vector<1x5000xf32>
    %mul3A_23 = arith.constant 5.000000e-01 : f32
    %mul3A_24 = vector.broadcast %mul3A_23 : f32 to vector<1x5000xf32>
    %mul3A_25 = arith.mulf %mul3A_24, %sub3A_20 : vector<1x5000xf32>
    %add3A_26 = arith.addf %get3A_12, %mul3A_25 : vector<1x5000xf32>
    %get3A_27 = arith.constant 0 : index
    %get3A_28 = arith.constant 0 : index
    %get3A_29 = vector.load %arg1[%get3A_27, %get3A_28] : memref<21x5000xf32, #tpu.memory_space<vmem>>, vector<21x5000xf32>
    %div3A_30 = arith.constant 1.000000e+01 : f32
    %div3A_31 = vector.broadcast %div3A_30 : f32 to vector<21x5000xf32>
    %div3A_32 = arith.divf %get3A_29, %div3A_31 : vector<21x5000xf32>
    %get3A_33 = arith.constant 0 : index
    %get3A_34 = arith.constant 0 : index
    %get3A_35 = vector.load %arg2[%get3A_33, %get3A_34] : memref<21x5000xf32, #tpu.memory_space<vmem>>, vector<21x5000xf32>
    %div3A_36 = arith.constant 1.000000e+01 : f32
    %div3A_37 = vector.broadcast %div3A_36 : f32 to vector<21x5000xf32>
    %div3A_38 = arith.divf %get3A_35, %div3A_37 : vector<21x5000xf32>
    %get3A_39 = arith.constant 0 : index
    %get3A_40 = arith.constant 0 : index
    %get3A_41 = vector.load %arg3[%get3A_39, %get3A_40] : memref<21x5000xf32, #tpu.memory_space<vmem>>, vector<21x5000xf32>
    %div3A_42 = arith.constant 5.000000e+00 : f32
    %div3A_43 = vector.broadcast %div3A_42 : f32 to vector<21x5000xf32>
    %div3A_44 = arith.divf %get3A_41, %div3A_43 : vector<21x5000xf32>
    %min3A = arith.constant 4.13516665 : f32
    %min3A_45 = vector.broadcast %min3A : f32 to vector<21x5000xf32>
    %min3A_46 = arith.minimumf %div3A_44, %min3A_45 : vector<21x5000xf32>
    %get3A_47 = arith.constant 0 : index
    %get3A_48 = arith.constant 0 : index
    %get3A_49 = vector.load %arg4[%get3A_47, %get3A_48] : memref<21x5000xf32, #tpu.memory_space<vmem>>, vector<21x5000xf32>
    %div3A_50 = arith.constant 5.000000e+00 : f32
    %div3A_51 = vector.broadcast %div3A_50 : f32 to vector<21x5000xf32>
    %div3A_52 = arith.divf %get3A_49, %div3A_51 : vector<21x5000xf32>
    %min3A_53 = arith.constant 4.13516665 : f32
    %min3A_54 = vector.broadcast %min3A_53 : f32 to vector<21x5000xf32>
    %min3A_55 = arith.minimumf %div3A_52, %min3A_54 : vector<21x5000xf32>
    %mul3A_56 = vector.broadcast %sub3A_19 : vector<1x5000xf32> to vector<21x5000xf32>
    %mul3A_57 = arith.mulf %div3A_32, %mul3A_56 : vector<21x5000xf32>
    %add3A_58 = vector.broadcast %add3A : vector<1x5000xf32> to vector<21x5000xf32>
    %add3A_59 = arith.addf %mul3A_57, %add3A_58 : vector<21x5000xf32>
    %mul3A_60 = vector.broadcast %sub3A_20 : vector<1x5000xf32> to vector<21x5000xf32>
    %mul3A_61 = arith.mulf %div3A_38, %mul3A_60 : vector<21x5000xf32>
    %add3A_62 = vector.broadcast %add3A_26 : vector<1x5000xf32> to vector<21x5000xf32>
    %add3A_63 = arith.addf %mul3A_61, %add3A_62 : vector<21x5000xf32>
    %exp3A_64 = math.exp %min3A_46 : vector<21x5000xf32>
    %mul3A_65 = vector.broadcast %sub3A_19 : vector<1x5000xf32> to vector<21x5000xf32>
    %mul3A_66 = arith.mulf %exp3A_64, %mul3A_65 : vector<21x5000xf32>
    %exp3A_67 = math.exp %min3A_55 : vector<21x5000xf32>
    %mul3A_68 = vector.broadcast %sub3A_20 : vector<1x5000xf32> to vector<21x5000xf32>
    %mul3A_69 = arith.mulf %exp3A_67, %mul3A_68 : vector<21x5000xf32>
    %mul3A_70 = arith.constant 5.000000e-01 : f32
    %mul3A_71 = vector.broadcast %mul3A_70 : f32 to vector<21x5000xf32>
    %mul3A_72 = arith.mulf %mul3A_71, %mul3A_66 : vector<21x5000xf32>
    %sub3A_73 = arith.subf %add3A_59, %mul3A_72 : vector<21x5000xf32>
    %jit3A = arith.constant 0.000000e+00 : f32
    %jit3A_74 = arith.constant 8.000000e+02 : f32
    %max3A = vector.broadcast %jit3A : f32 to vector<21x5000xf32>
    %max3A_75 = arith.maximumf %max3A, %sub3A_73 : vector<21x5000xf32>
    %min3A_76 = vector.broadcast %jit3A_74 : f32 to vector<21x5000xf32>
    %min3A_77 = arith.minimumf %min3A_76, %max3A_75 : vector<21x5000xf32>
    %mul3A_78 = arith.constant 5.000000e-01 : f32
    %mul3A_79 = vector.broadcast %mul3A_78 : f32 to vector<21x5000xf32>
    %mul3A_80 = arith.mulf %mul3A_79, %mul3A_69 : vector<21x5000xf32>
    %sub3A_81 = arith.subf %add3A_63, %mul3A_80 : vector<21x5000xf32>
    %jit3A_82 = arith.constant 0.000000e+00 : f32
    %jit3A_83 = arith.constant 8.000000e+02 : f32
    %max3A_84 = vector.broadcast %jit3A_82 : f32 to vector<21x5000xf32>
    %max3A_85 = arith.maximumf %max3A_84, %sub3A_81 : vector<21x5000xf32>
    %min3A_86 = vector.broadcast %jit3A_83 : f32 to vector<21x5000xf32>
    %min3A_87 = arith.minimumf %min3A_86, %max3A_85 : vector<21x5000xf32>
    %mul3A_88 = arith.constant 5.000000e-01 : f32
    %mul3A_89 = vector.broadcast %mul3A_88 : f32 to vector<21x5000xf32>
    %mul3A_90 = arith.mulf %mul3A_89, %mul3A_66 : vector<21x5000xf32>
    %add3A_91 = arith.addf %add3A_59, %mul3A_90 : vector<21x5000xf32>
    %jit3A_92 = arith.constant 0.000000e+00 : f32
    %jit3A_93 = arith.constant 8.000000e+02 : f32
    %max3A_94 = vector.broadcast %jit3A_92 : f32 to vector<21x5000xf32>
    %max3A_95 = arith.maximumf %max3A_94, %add3A_91 : vector<21x5000xf32>
    %min3A_96 = vector.broadcast %jit3A_93 : f32 to vector<21x5000xf32>
    %min3A_97 = arith.minimumf %min3A_96, %max3A_95 : vector<21x5000xf32>
    %mul3A_98 = arith.constant 5.000000e-01 : f32
    %mul3A_99 = vector.broadcast %mul3A_98 : f32 to vector<21x5000xf32>
    %mul3A_100 = arith.mulf %mul3A_99, %mul3A_69 : vector<21x5000xf32>
    %add3A_101 = arith.addf %add3A_63, %mul3A_100 : vector<21x5000xf32>
    %jit3A_102 = arith.constant 0.000000e+00 : f32
    %jit3A_103 = arith.constant 8.000000e+02 : f32
    %max3A_104 = vector.broadcast %jit3A_102 : f32 to vector<21x5000xf32>
    %max3A_105 = arith.maximumf %max3A_104, %add3A_101 : vector<21x5000xf32>
    %min3A_106 = vector.broadcast %jit3A_103 : f32 to vector<21x5000xf32>
    %min3A_107 = arith.minimumf %min3A_106, %max3A_105 : vector<21x5000xf32>
    %sub3A_108 = arith.subf %min3A_97, %min3A_77 : vector<21x5000xf32>
    %sub3A_109 = arith.subf %min3A_107, %min3A_87 : vector<21x5000xf32>
    %gt3A = arith.constant 5.000000e-02 : f32
    %gt3A_110 = vector.broadcast %gt3A : f32 to vector<21x5000xf32>
    %gt3A_111 = arith.cmpf ogt, %div3A_6, %gt3A_110 : vector<21x5000xf32>
    %ge3A = arith.constant 0.00999999977 : f32
    %ge3A_112 = vector.broadcast %ge3A : f32 to vector<21x5000xf32>
    %ge3A_113 = arith.cmpf oge, %sub3A_108, %ge3A_112 : vector<21x5000xf32>
    %and3A = arith.andi %gt3A_111, %ge3A_113 : vector<21x5000xi1>
    %ge3A_114 = arith.constant 0.00999999977 : f32
    %ge3A_115 = vector.broadcast %ge3A_114 : f32 to vector<21x5000xf32>
    %ge3A_116 = arith.cmpf oge, %sub3A_109, %ge3A_115 : vector<21x5000xf32>
    %and3A_117 = arith.andi %and3A, %ge3A_116 : vector<21x5000xi1>
    %jit3A_118 = arith.constant 0.000000e+00 : f32
    %broadcast_in_dim3A_119 = vector.broadcast %jit3A_118 : f32 to vector<21x5000xf32>
    %select_n3A = arith.select %and3A_117, %div3A_6, %broadcast_in_dim3A_119 : vector<21x5000xi1>, vector<21x5000xf32>
    %swap3A = arith.constant 0 : index
    %swap3A_120 = arith.constant 0 : index
    %swap3A_121 = vector.load %arg6[%swap3A, %swap3A_120] : memref<21x5000xf32, #tpu.memory_space<vmem>>, vector<21x5000xf32>
    tpu.vector_store %arg6[%swap3A, %swap3A_120], %select_n3A {strides = array<i32>} : memref<21x5000xf32, #tpu.memory_space<vmem>>, vector<21x5000xf32>,
    %swap3A_122 = arith.constant 0 : index
    %swap3A_123 = arith.constant 0 : index
    %swap3A_124 = vector.load %arg7[%swap3A_122, %swap3A_123] : memref<21x5000xf32, #tpu.memory_space<vmem>>, vector<21x5000xf32>
    tpu.vector_store %arg7[%swap3A_122, %swap3A_123], %min3A_77 {strides = array<i32>} : memref<21x5000xf32, #tpu.memory_space<vmem>>, vector<21x5000xf32>,
    %swap3A_125 = arith.constant 0 : index
    %swap3A_126 = arith.constant 0 : index
    %swap3A_127 = vector.load %arg8[%swap3A_125, %swap3A_126] : memref<21x5000xf32, #tpu.memory_space<vmem>>, vector<21x5000xf32>
    tpu.vector_store %arg8[%swap3A_125, %swap3A_126], %min3A_87 {strides = array<i32>} : memref<21x5000xf32, #tpu.memory_space<vmem>>, vector<21x5000xf32>,
    %swap3A_128 = arith.constant 0 : index
    %swap3A_129 = arith.constant 0 : index
    %swap3A_130 = vector.load %arg9[%swap3A_128, %swap3A_129] : memref<21x5000xf32, #tpu.memory_space<vmem>>, vector<21x5000xf32>
    tpu.vector_store %arg9[%swap3A_128, %swap3A_129], %min3A_97 {strides = array<i32>} : memref<21x5000xf32, #tpu.memory_space<vmem>>, vector<21x5000xf32>,
    %swap3A_131 = arith.constant 0 : index
    %swap3A_132 = arith.constant 0 : index
    %swap3A_133 = vector.load %arg10[%swap3A_131, %swap3A_132] : memref<21x5000xf32, #tpu.memory_space<vmem>>, vector<21x5000xf32>
    tpu.vector_store %arg10[%swap3A_131, %swap3A_132], %min3A_107 {strides = array<i32>} : memref<21x5000xf32, #tpu.memory_space<vmem>>, vector<21x5000xf32>,
    return
  }
}

module attributes {stable_mosaic.version = 14 : i64} {
  func.func @_nms_kernel(%arg0: memref<8x2048xf32, #tpu.memory_space<vmem>>, %arg1: memref<2048x8xf32, #tpu.memory_space<vmem>>, %arg2: memref<1x2048xf32, #tpu.memory_space<vmem>>, %arg3: memref<2048x2048xbf16, #tpu.memory_space<vmem>>) attributes {dimension_semantics = [], scalar_prefetch = 0 : i64, scratch_operands = 1 : i64, tpu.core_type = #tpu.core_type<tc>} {
    %get3A = arith.constant 0 : index
    %get3A_0 = arith.constant 0 : index
    %get3A_1 = vector.load %arg0[%get3A, %get3A_0] : memref<8x2048xf32, #tpu.memory_space<vmem>>, vector<1x2048xf32>
    %get3A_2 = arith.constant 1 : index
    %get3A_3 = arith.constant 0 : index
    %get3A_4 = vector.load %arg0[%get3A_2, %get3A_3] : memref<8x2048xf32, #tpu.memory_space<vmem>>, vector<1x2048xf32>
    %get3A_5 = arith.constant 2 : index
    %get3A_6 = arith.constant 0 : index
    %get3A_7 = vector.load %arg0[%get3A_5, %get3A_6] : memref<8x2048xf32, #tpu.memory_space<vmem>>, vector<1x2048xf32>
    %get3A_8 = arith.constant 3 : index
    %get3A_9 = arith.constant 0 : index
    %get3A_10 = vector.load %arg0[%get3A_8, %get3A_9] : memref<8x2048xf32, #tpu.memory_space<vmem>>, vector<1x2048xf32>
    %get3A_11 = arith.constant 4 : index
    %get3A_12 = arith.constant 0 : index
    %get3A_13 = vector.load %arg0[%get3A_11, %get3A_12] : memref<8x2048xf32, #tpu.memory_space<vmem>>, vector<1x2048xf32>
    %get3A_14 = arith.constant 5 : index
    %get3A_15 = arith.constant 0 : index
    %get3A_16 = vector.load %arg0[%get3A_14, %get3A_15] : memref<8x2048xf32, #tpu.memory_space<vmem>>, vector<1x2048xf32>
    %mul3A = arith.constant 8.010000e+02 : f32
    %mul3A_17 = vector.broadcast %mul3A : f32 to vector<1x2048xf32>
    %mul3A_18 = arith.mulf %get3A_16, %mul3A_17 : vector<1x2048xf32>
    %add3A = arith.addf %get3A_1, %mul3A_18 : vector<1x2048xf32>
    %add3A_19 = arith.addf %get3A_4, %mul3A_18 : vector<1x2048xf32>
    %add3A_20 = arith.addf %get3A_7, %mul3A_18 : vector<1x2048xf32>
    %add3A_21 = arith.addf %get3A_10, %mul3A_18 : vector<1x2048xf32>
    %sub3A = arith.subf %add3A_20, %add3A : vector<1x2048xf32>
    %jit3A = arith.constant 0.000000e+00 : f32
    %max3A = vector.broadcast %jit3A : f32 to vector<1x2048xf32>
    %max3A_22 = arith.maximumf %max3A, %sub3A : vector<1x2048xf32>
    %sub3A_23 = arith.subf %add3A_21, %add3A_19 : vector<1x2048xf32>
    %jit3A_24 = arith.constant 0.000000e+00 : f32
    %max3A_25 = vector.broadcast %jit3A_24 : f32 to vector<1x2048xf32>
    %max3A_26 = arith.maximumf %max3A_25, %sub3A_23 : vector<1x2048xf32>
    %mul3A_27 = arith.mulf %max3A_22, %max3A_26 : vector<1x2048xf32>
    %iota3A = tpu.iota {dimensions = array<i32: 1>} : vector<1x2048xi32>
    %get3A_28 = arith.constant 0 : index
    %get3A_29 = arith.constant 0 : index
    %get3A_30 = vector.load %arg1[%get3A_28, %get3A_29] : memref<2048x8xf32, #tpu.memory_space<vmem>>, vector<256x1xf32>
    %get3A_31 = arith.constant 0 : index
    %get3A_32 = arith.constant 1 : index
    %get3A_33 = vector.load %arg1[%get3A_31, %get3A_32] : memref<2048x8xf32, #tpu.memory_space<vmem>>, vector<256x1xf32>
    %get3A_34 = arith.constant 0 : index
    %get3A_35 = arith.constant 2 : index
    %get3A_36 = vector.load %arg1[%get3A_34, %get3A_35] : memref<2048x8xf32, #tpu.memory_space<vmem>>, vector<256x1xf32>
    %get3A_37 = arith.constant 0 : index
    %get3A_38 = arith.constant 3 : index
    %get3A_39 = vector.load %arg1[%get3A_37, %get3A_38] : memref<2048x8xf32, #tpu.memory_space<vmem>>, vector<256x1xf32>
    %get3A_40 = arith.constant 0 : index
    %get3A_41 = arith.constant 5 : index
    %get3A_42 = vector.load %arg1[%get3A_40, %get3A_41] : memref<2048x8xf32, #tpu.memory_space<vmem>>, vector<256x1xf32>
    %mul3A_43 = arith.constant 8.010000e+02 : f32
    %mul3A_44 = vector.broadcast %mul3A_43 : f32 to vector<256x1xf32>
    %mul3A_45 = arith.mulf %get3A_42, %mul3A_44 : vector<256x1xf32>
    %add3A_46 = arith.addf %get3A_30, %mul3A_45 : vector<256x1xf32>
    %add3A_47 = arith.addf %get3A_33, %mul3A_45 : vector<256x1xf32>
    %add3A_48 = arith.addf %get3A_36, %mul3A_45 : vector<256x1xf32>
    %add3A_49 = arith.addf %get3A_39, %mul3A_45 : vector<256x1xf32>
    %sub3A_50 = arith.subf %add3A_48, %add3A_46 : vector<256x1xf32>
    %jit3A_51 = arith.constant 0.000000e+00 : f32
    %max3A_52 = vector.broadcast %jit3A_51 : f32 to vector<256x1xf32>
    %max3A_53 = arith.maximumf %max3A_52, %sub3A_50 : vector<256x1xf32>
    %sub3A_54 = arith.subf %add3A_49, %add3A_47 : vector<256x1xf32>
    %jit3A_55 = arith.constant 0.000000e+00 : f32
    %max3A_56 = vector.broadcast %jit3A_55 : f32 to vector<256x1xf32>
    %max3A_57 = arith.maximumf %max3A_56, %sub3A_54 : vector<256x1xf32>
    %mul3A_58 = arith.mulf %max3A_53, %max3A_57 : vector<256x1xf32>
    %max3A_59 = vector.broadcast %add3A_46 : vector<256x1xf32> to vector<256x2048xf32>
    %max3A_60 = vector.broadcast %add3A : vector<1x2048xf32> to vector<256x2048xf32>
    %max3A_61 = arith.maximumf %max3A_59, %max3A_60 : vector<256x2048xf32>
    %max3A_62 = vector.broadcast %add3A_47 : vector<256x1xf32> to vector<256x2048xf32>
    %max3A_63 = vector.broadcast %add3A_19 : vector<1x2048xf32> to vector<256x2048xf32>
    %max3A_64 = arith.maximumf %max3A_62, %max3A_63 : vector<256x2048xf32>
    %min3A = vector.broadcast %add3A_48 : vector<256x1xf32> to vector<256x2048xf32>
    %min3A_65 = vector.broadcast %add3A_20 : vector<1x2048xf32> to vector<256x2048xf32>
    %min3A_66 = arith.minimumf %min3A, %min3A_65 : vector<256x2048xf32>
    %min3A_67 = vector.broadcast %add3A_49 : vector<256x1xf32> to vector<256x2048xf32>
    %min3A_68 = vector.broadcast %add3A_21 : vector<1x2048xf32> to vector<256x2048xf32>
    %min3A_69 = arith.minimumf %min3A_67, %min3A_68 : vector<256x2048xf32>
    %sub3A_70 = arith.subf %min3A_66, %max3A_61 : vector<256x2048xf32>
    %jit3A_71 = arith.constant 0.000000e+00 : f32
    %max3A_72 = vector.broadcast %jit3A_71 : f32 to vector<256x2048xf32>
    %max3A_73 = arith.maximumf %max3A_72, %sub3A_70 : vector<256x2048xf32>
    %sub3A_74 = arith.subf %min3A_69, %max3A_64 : vector<256x2048xf32>
    %jit3A_75 = arith.constant 0.000000e+00 : f32
    %max3A_76 = vector.broadcast %jit3A_75 : f32 to vector<256x2048xf32>
    %max3A_77 = arith.maximumf %max3A_76, %sub3A_74 : vector<256x2048xf32>
    %mul3A_78 = arith.mulf %max3A_73, %max3A_77 : vector<256x2048xf32>
    %add3A_79 = vector.broadcast %mul3A_58 : vector<256x1xf32> to vector<256x2048xf32>
    %add3A_80 = vector.broadcast %mul3A_27 : vector<1x2048xf32> to vector<256x2048xf32>
    %add3A_81 = arith.addf %add3A_79, %add3A_80 : vector<256x2048xf32>
    %sub3A_82 = arith.subf %add3A_81, %mul3A_78 : vector<256x2048xf32>
    %max3A_83 = arith.constant 9.99999971E-10 : f32
    %max3A_84 = vector.broadcast %max3A_83 : f32 to vector<256x2048xf32>
    %max3A_85 = arith.maximumf %sub3A_82, %max3A_84 : vector<256x2048xf32>
    %div3A = arith.divf %mul3A_78, %max3A_85 : vector<256x2048xf32>
    %iota3A_86 = tpu.iota {dimensions = array<i32: 0>} : vector<256x1xi32>
    %add3A_87 = arith.constant 0 : i32
    %add3A_88 = vector.broadcast %add3A_87 : i32 to vector<256x1xi32>
    %add3A_89 = arith.addi %add3A_88, %iota3A_86 : vector<256x1xi32>
    %gt3A = arith.constant 5.000000e-01 : f32
    %gt3A_90 = vector.broadcast %gt3A : f32 to vector<256x2048xf32>
    %gt3A_91 = arith.cmpf ogt, %div3A, %gt3A_90 : vector<256x2048xf32>
    %lt3A = vector.broadcast %add3A_89 : vector<256x1xi32> to vector<256x2048xi32>
    %lt3A_92 = vector.broadcast %iota3A : vector<1x2048xi32> to vector<256x2048xi32>
    %lt3A_93 = arith.cmpi slt, %lt3A, %lt3A_92 : vector<256x2048xi32>
    %and3A = arith.andi %gt3A_91, %lt3A_93 : vector<256x2048xi1>
    %convert_element_type3A = arith.extui %and3A : vector<256x2048xi1> to vector<256x2048xi32>
    %convert_element_type3A_94 = arith.sitofp %convert_element_type3A : vector<256x2048xi32> to vector<256x2048xf32>
    %convert_element_type3A_95 = arith.truncf %convert_element_type3A_94 : vector<256x2048xf32> to vector<256x2048xbf16>
    %swap3A = arith.constant 0 : index
    %swap3A_96 = arith.constant 0 : index
    %swap3A_97 = vector.load %arg3[%swap3A, %swap3A_96] : memref<2048x2048xbf16, #tpu.memory_space<vmem>>, vector<256x2048xbf16>
    tpu.vector_store %arg3[%swap3A, %swap3A_96], %convert_element_type3A_95 {strides = array<i32>} : memref<2048x2048xbf16, #tpu.memory_space<vmem>>, vector<256x2048xbf16>,
    %get3A_98 = arith.constant 256 : index
    %get3A_99 = arith.constant 0 : index
    %get3A_100 = vector.load %arg1[%get3A_98, %get3A_99] : memref<2048x8xf32, #tpu.memory_space<vmem>>, vector<256x1xf32>
    %get3A_101 = arith.constant 256 : index
    %get3A_102 = arith.constant 1 : index
    %get3A_103 = vector.load %arg1[%get3A_101, %get3A_102] : memref<2048x8xf32, #tpu.memory_space<vmem>>, vector<256x1xf32>
    %get3A_104 = arith.constant 256 : index
    %get3A_105 = arith.constant 2 : index
    %get3A_106 = vector.load %arg1[%get3A_104, %get3A_105] : memref<2048x8xf32, #tpu.memory_space<vmem>>, vector<256x1xf32>
    %get3A_107 = arith.constant 256 : index
    %get3A_108 = arith.constant 3 : index
    %get3A_109 = vector.load %arg1[%get3A_107, %get3A_108] : memref<2048x8xf32, #tpu.memory_space<vmem>>, vector<256x1xf32>
    %get3A_110 = arith.constant 256 : index
    %get3A_111 = arith.constant 5 : index
    %get3A_112 = vector.load %arg1[%get3A_110, %get3A_111] : memref<2048x8xf32, #tpu.memory_space<vmem>>, vector<256x1xf32>
    %mul3A_113 = arith.constant 8.010000e+02 : f32
    %mul3A_114 = vector.broadcast %mul3A_113 : f32 to vector<256x1xf32>
    %mul3A_115 = arith.mulf %get3A_112, %mul3A_114 : vector<256x1xf32>
    %add3A_116 = arith.addf %get3A_100, %mul3A_115 : vector<256x1xf32>
    %add3A_117 = arith.addf %get3A_103, %mul3A_115 : vector<256x1xf32>
    %add3A_118 = arith.addf %get3A_106, %mul3A_115 : vector<256x1xf32>
    %add3A_119 = arith.addf %get3A_109, %mul3A_115 : vector<256x1xf32>
    %sub3A_120 = arith.subf %add3A_118, %add3A_116 : vector<256x1xf32>
    %jit3A_121 = arith.constant 0.000000e+00 : f32
    %max3A_122 = vector.broadcast %jit3A_121 : f32 to vector<256x1xf32>
    %max3A_123 = arith.maximumf %max3A_122, %sub3A_120 : vector<256x1xf32>
    %sub3A_124 = arith.subf %add3A_119, %add3A_117 : vector<256x1xf32>
    %jit3A_125 = arith.constant 0.000000e+00 : f32
    %max3A_126 = vector.broadcast %jit3A_125 : f32 to vector<256x1xf32>
    %max3A_127 = arith.maximumf %max3A_126, %sub3A_124 : vector<256x1xf32>
    %mul3A_128 = arith.mulf %max3A_123, %max3A_127 : vector<256x1xf32>
    %slice3A = vector.extract_strided_slice %add3A {offsets = [0, 256], sizes = [1, 1792], strides = [1, 1]} : vector<1x2048xf32> to vector<1x1792xf32>
    %max3A_129 = vector.broadcast %add3A_116 : vector<256x1xf32> to vector<256x1792xf32>
    %max3A_130 = vector.broadcast %slice3A : vector<1x1792xf32> to vector<256x1792xf32>
    %max3A_131 = arith.maximumf %max3A_129, %max3A_130 : vector<256x1792xf32>
    %slice3A_132 = vector.extract_strided_slice %add3A_19 {offsets = [0, 256], sizes = [1, 1792], strides = [1, 1]} : vector<1x2048xf32> to vector<1x1792xf32>
    %max3A_133 = vector.broadcast %add3A_117 : vector<256x1xf32> to vector<256x1792xf32>
    %max3A_134 = vector.broadcast %slice3A_132 : vector<1x1792xf32> to vector<256x1792xf32>
    %max3A_135 = arith.maximumf %max3A_133, %max3A_134 : vector<256x1792xf32>
    %slice3A_136 = vector.extract_strided_slice %add3A_20 {offsets = [0, 256], sizes = [1, 1792], strides = [1, 1]} : vector<1x2048xf32> to vector<1x1792xf32>
    %min3A_137 = vector.broadcast %add3A_118 : vector<256x1xf32> to vector<256x1792xf32>
    %min3A_138 = vector.broadcast %slice3A_136 : vector<1x1792xf32> to vector<256x1792xf32>
    %min3A_139 = arith.minimumf %min3A_137, %min3A_138 : vector<256x1792xf32>
    %slice3A_140 = vector.extract_strided_slice %add3A_21 {offsets = [0, 256], sizes = [1, 1792], strides = [1, 1]} : vector<1x2048xf32> to vector<1x1792xf32>
    %min3A_141 = vector.broadcast %add3A_119 : vector<256x1xf32> to vector<256x1792xf32>
    %min3A_142 = vector.broadcast %slice3A_140 : vector<1x1792xf32> to vector<256x1792xf32>
    %min3A_143 = arith.minimumf %min3A_141, %min3A_142 : vector<256x1792xf32>
    %sub3A_144 = arith.subf %min3A_139, %max3A_131 : vector<256x1792xf32>
    %jit3A_145 = arith.constant 0.000000e+00 : f32
    %max3A_146 = vector.broadcast %jit3A_145 : f32 to vector<256x1792xf32>
    %max3A_147 = arith.maximumf %max3A_146, %sub3A_144 : vector<256x1792xf32>
    %sub3A_148 = arith.subf %min3A_143, %max3A_135 : vector<256x1792xf32>
    %jit3A_149 = arith.constant 0.000000e+00 : f32
    %max3A_150 = vector.broadcast %jit3A_149 : f32 to vector<256x1792xf32>
    %max3A_151 = arith.maximumf %max3A_150, %sub3A_148 : vector<256x1792xf32>
    %mul3A_152 = arith.mulf %max3A_147, %max3A_151 : vector<256x1792xf32>
    %slice3A_153 = vector.extract_strided_slice %mul3A_27 {offsets = [0, 256], sizes = [1, 1792], strides = [1, 1]} : vector<1x2048xf32> to vector<1x1792xf32>
    %add3A_154 = vector.broadcast %mul3A_128 : vector<256x1xf32> to vector<256x1792xf32>
    %add3A_155 = vector.broadcast %slice3A_153 : vector<1x1792xf32> to vector<256x1792xf32>
    %add3A_156 = arith.addf %add3A_154, %add3A_155 : vector<256x1792xf32>
    %sub3A_157 = arith.subf %add3A_156, %mul3A_152 : vector<256x1792xf32>
    %max3A_158 = arith.constant 9.99999971E-10 : f32
    %max3A_159 = vector.broadcast %max3A_158 : f32 to vector<256x1792xf32>
    %max3A_160 = arith.maximumf %sub3A_157, %max3A_159 : vector<256x1792xf32>
    %div3A_161 = arith.divf %mul3A_152, %max3A_160 : vector<256x1792xf32>
    %iota3A_162 = tpu.iota {dimensions = array<i32: 0>} : vector<256x1xi32>
    %add3A_163 = arith.constant 256 : i32
    %add3A_164 = vector.broadcast %add3A_163 : i32 to vector<256x1xi32>
    %add3A_165 = arith.addi %add3A_164, %iota3A_162 : vector<256x1xi32>
    %gt3A_166 = arith.constant 5.000000e-01 : f32
    %gt3A_167 = vector.broadcast %gt3A_166 : f32 to vector<256x1792xf32>
    %gt3A_168 = arith.cmpf ogt, %div3A_161, %gt3A_167 : vector<256x1792xf32>
    %slice3A_169 = vector.extract_strided_slice %iota3A {offsets = [0, 256], sizes = [1, 1792], strides = [1, 1]} : vector<1x2048xi32> to vector<1x1792xi32>
    %lt3A_170 = vector.broadcast %add3A_165 : vector<256x1xi32> to vector<256x1792xi32>
    %lt3A_171 = vector.broadcast %slice3A_169 : vector<1x1792xi32> to vector<256x1792xi32>
    %lt3A_172 = arith.cmpi slt, %lt3A_170, %lt3A_171 : vector<256x1792xi32>
    %and3A_173 = arith.andi %gt3A_168, %lt3A_172 : vector<256x1792xi1>
    %broadcast_in_dim3A = arith.constant 0.000000e+00 : bf16
    %broadcast_in_dim3A_174 = vector.broadcast %broadcast_in_dim3A : bf16 to vector<256x256xbf16>
    %swap3A_175 = arith.constant 256 : index
    %swap3A_176 = arith.constant 0 : index
    %swap3A_177 = vector.load %arg3[%swap3A_175, %swap3A_176] : memref<2048x2048xbf16, #tpu.memory_space<vmem>>, vector<256x256xbf16>
    tpu.vector_store %arg3[%swap3A_175, %swap3A_176], %broadcast_in_dim3A_174 {strides = array<i32>} : memref<2048x2048xbf16, #tpu.memory_space<vmem>>, vector<256x256xbf16>,
    %convert_element_type3A_178 = arith.extui %and3A_173 : vector<256x1792xi1> to vector<256x1792xi32>
    %convert_element_type3A_179 = arith.sitofp %convert_element_type3A_178 : vector<256x1792xi32> to vector<256x1792xf32>
    %convert_element_type3A_180 = arith.truncf %convert_element_type3A_179 : vector<256x1792xf32> to vector<256x1792xbf16>
    %swap3A_181 = arith.constant 256 : index
    %swap3A_182 = arith.constant 256 : index
    %swap3A_183 = vector.load %arg3[%swap3A_181, %swap3A_182] : memref<2048x2048xbf16, #tpu.memory_space<vmem>>, vector<256x1792xbf16>
    tpu.vector_store %arg3[%swap3A_181, %swap3A_182], %convert_element_type3A_180 {strides = array<i32>} : memref<2048x2048xbf16, #tpu.memory_space<vmem>>, vector<256x1792xbf16>,
    %get3A_184 = arith.constant 512 : index
    %get3A_185 = arith.constant 0 : index
    %get3A_186 = vector.load %arg1[%get3A_184, %get3A_185] : memref<2048x8xf32, #tpu.memory_space<vmem>>, vector<256x1xf32>
    %get3A_187 = arith.constant 512 : index
    %get3A_188 = arith.constant 1 : index
    %get3A_189 = vector.load %arg1[%get3A_187, %get3A_188] : memref<2048x8xf32, #tpu.memory_space<vmem>>, vector<256x1xf32>
    %get3A_190 = arith.constant 512 : index
    %get3A_191 = arith.constant 2 : index
    %get3A_192 = vector.load %arg1[%get3A_190, %get3A_191] : memref<2048x8xf32, #tpu.memory_space<vmem>>, vector<256x1xf32>
    %get3A_193 = arith.constant 512 : index
    %get3A_194 = arith.constant 3 : index
    %get3A_195 = vector.load %arg1[%get3A_193, %get3A_194] : memref<2048x8xf32, #tpu.memory_space<vmem>>, vector<256x1xf32>
    %get3A_196 = arith.constant 512 : index
    %get3A_197 = arith.constant 5 : index
    %get3A_198 = vector.load %arg1[%get3A_196, %get3A_197] : memref<2048x8xf32, #tpu.memory_space<vmem>>, vector<256x1xf32>
    %mul3A_199 = arith.constant 8.010000e+02 : f32
    %mul3A_200 = vector.broadcast %mul3A_199 : f32 to vector<256x1xf32>
    %mul3A_201 = arith.mulf %get3A_198, %mul3A_200 : vector<256x1xf32>
    %add3A_202 = arith.addf %get3A_186, %mul3A_201 : vector<256x1xf32>
    %add3A_203 = arith.addf %get3A_189, %mul3A_201 : vector<256x1xf32>
    %add3A_204 = arith.addf %get3A_192, %mul3A_201 : vector<256x1xf32>
    %add3A_205 = arith.addf %get3A_195, %mul3A_201 : vector<256x1xf32>
    %sub3A_206 = arith.subf %add3A_204, %add3A_202 : vector<256x1xf32>
    %jit3A_207 = arith.constant 0.000000e+00 : f32
    %max3A_208 = vector.broadcast %jit3A_207 : f32 to vector<256x1xf32>
    %max3A_209 = arith.maximumf %max3A_208, %sub3A_206 : vector<256x1xf32>
    %sub3A_210 = arith.subf %add3A_205, %add3A_203 : vector<256x1xf32>
    %jit3A_211 = arith.constant 0.000000e+00 : f32
    %max3A_212 = vector.broadcast %jit3A_211 : f32 to vector<256x1xf32>
    %max3A_213 = arith.maximumf %max3A_212, %sub3A_210 : vector<256x1xf32>
    %mul3A_214 = arith.mulf %max3A_209, %max3A_213 : vector<256x1xf32>
    %slice3A_215 = vector.extract_strided_slice %add3A {offsets = [0, 512], sizes = [1, 1536], strides = [1, 1]} : vector<1x2048xf32> to vector<1x1536xf32>
    %max3A_216 = vector.broadcast %add3A_202 : vector<256x1xf32> to vector<256x1536xf32>
    %max3A_217 = vector.broadcast %slice3A_215 : vector<1x1536xf32> to vector<256x1536xf32>
    %max3A_218 = arith.maximumf %max3A_216, %max3A_217 : vector<256x1536xf32>
    %slice3A_219 = vector.extract_strided_slice %add3A_19 {offsets = [0, 512], sizes = [1, 1536], strides = [1, 1]} : vector<1x2048xf32> to vector<1x1536xf32>
    %max3A_220 = vector.broadcast %add3A_203 : vector<256x1xf32> to vector<256x1536xf32>
    %max3A_221 = vector.broadcast %slice3A_219 : vector<1x1536xf32> to vector<256x1536xf32>
    %max3A_222 = arith.maximumf %max3A_220, %max3A_221 : vector<256x1536xf32>
    %slice3A_223 = vector.extract_strided_slice %add3A_20 {offsets = [0, 512], sizes = [1, 1536], strides = [1, 1]} : vector<1x2048xf32> to vector<1x1536xf32>
    %min3A_224 = vector.broadcast %add3A_204 : vector<256x1xf32> to vector<256x1536xf32>
    %min3A_225 = vector.broadcast %slice3A_223 : vector<1x1536xf32> to vector<256x1536xf32>
    %min3A_226 = arith.minimumf %min3A_224, %min3A_225 : vector<256x1536xf32>
    %slice3A_227 = vector.extract_strided_slice %add3A_21 {offsets = [0, 512], sizes = [1, 1536], strides = [1, 1]} : vector<1x2048xf32> to vector<1x1536xf32>
    %min3A_228 = vector.broadcast %add3A_205 : vector<256x1xf32> to vector<256x1536xf32>
    %min3A_229 = vector.broadcast %slice3A_227 : vector<1x1536xf32> to vector<256x1536xf32>
    %min3A_230 = arith.minimumf %min3A_228, %min3A_229 : vector<256x1536xf32>
    %sub3A_231 = arith.subf %min3A_226, %max3A_218 : vector<256x1536xf32>
    %jit3A_232 = arith.constant 0.000000e+00 : f32
    %max3A_233 = vector.broadcast %jit3A_232 : f32 to vector<256x1536xf32>
    %max3A_234 = arith.maximumf %max3A_233, %sub3A_231 : vector<256x1536xf32>
    %sub3A_235 = arith.subf %min3A_230, %max3A_222 : vector<256x1536xf32>
    %jit3A_236 = arith.constant 0.000000e+00 : f32
    %max3A_237 = vector.broadcast %jit3A_236 : f32 to vector<256x1536xf32>
    %max3A_238 = arith.maximumf %max3A_237, %sub3A_235 : vector<256x1536xf32>
    %mul3A_239 = arith.mulf %max3A_234, %max3A_238 : vector<256x1536xf32>
    %slice3A_240 = vector.extract_strided_slice %mul3A_27 {offsets = [0, 512], sizes = [1, 1536], strides = [1, 1]} : vector<1x2048xf32> to vector<1x1536xf32>
    %add3A_241 = vector.broadcast %mul3A_214 : vector<256x1xf32> to vector<256x1536xf32>
    %add3A_242 = vector.broadcast %slice3A_240 : vector<1x1536xf32> to vector<256x1536xf32>
    %add3A_243 = arith.addf %add3A_241, %add3A_242 : vector<256x1536xf32>
    %sub3A_244 = arith.subf %add3A_243, %mul3A_239 : vector<256x1536xf32>
    %max3A_245 = arith.constant 9.99999971E-10 : f32
    %max3A_246 = vector.broadcast %max3A_245 : f32 to vector<256x1536xf32>
    %max3A_247 = arith.maximumf %sub3A_244, %max3A_246 : vector<256x1536xf32>
    %div3A_248 = arith.divf %mul3A_239, %max3A_247 : vector<256x1536xf32>
    %iota3A_249 = tpu.iota {dimensions = array<i32: 0>} : vector<256x1xi32>
    %add3A_250 = arith.constant 512 : i32
    %add3A_251 = vector.broadcast %add3A_250 : i32 to vector<256x1xi32>
    %add3A_252 = arith.addi %add3A_251, %iota3A_249 : vector<256x1xi32>
    %gt3A_253 = arith.constant 5.000000e-01 : f32
    %gt3A_254 = vector.broadcast %gt3A_253 : f32 to vector<256x1536xf32>
    %gt3A_255 = arith.cmpf ogt, %div3A_248, %gt3A_254 : vector<256x1536xf32>
    %slice3A_256 = vector.extract_strided_slice %iota3A {offsets = [0, 512], sizes = [1, 1536], strides = [1, 1]} : vector<1x2048xi32> to vector<1x1536xi32>
    %lt3A_257 = vector.broadcast %add3A_252 : vector<256x1xi32> to vector<256x1536xi32>
    %lt3A_258 = vector.broadcast %slice3A_256 : vector<1x1536xi32> to vector<256x1536xi32>
    %lt3A_259 = arith.cmpi slt, %lt3A_257, %lt3A_258 : vector<256x1536xi32>
    %and3A_260 = arith.andi %gt3A_255, %lt3A_259 : vector<256x1536xi1>
    %broadcast_in_dim3A_261 = arith.constant 0.000000e+00 : bf16
    %broadcast_in_dim3A_262 = vector.broadcast %broadcast_in_dim3A_261 : bf16 to vector<256x512xbf16>
    %swap3A_263 = arith.constant 512 : index
    %swap3A_264 = arith.constant 0 : index
    %swap3A_265 = vector.load %arg3[%swap3A_263, %swap3A_264] : memref<2048x2048xbf16, #tpu.memory_space<vmem>>, vector<256x512xbf16>
    tpu.vector_store %arg3[%swap3A_263, %swap3A_264], %broadcast_in_dim3A_262 {strides = array<i32>} : memref<2048x2048xbf16, #tpu.memory_space<vmem>>, vector<256x512xbf16>,
    %convert_element_type3A_266 = arith.extui %and3A_260 : vector<256x1536xi1> to vector<256x1536xi32>
    %convert_element_type3A_267 = arith.sitofp %convert_element_type3A_266 : vector<256x1536xi32> to vector<256x1536xf32>
    %convert_element_type3A_268 = arith.truncf %convert_element_type3A_267 : vector<256x1536xf32> to vector<256x1536xbf16>
    %swap3A_269 = arith.constant 512 : index
    %swap3A_270 = arith.constant 512 : index
    %swap3A_271 = vector.load %arg3[%swap3A_269, %swap3A_270] : memref<2048x2048xbf16, #tpu.memory_space<vmem>>, vector<256x1536xbf16>
    tpu.vector_store %arg3[%swap3A_269, %swap3A_270], %convert_element_type3A_268 {strides = array<i32>} : memref<2048x2048xbf16, #tpu.memory_space<vmem>>, vector<256x1536xbf16>,
    %get3A_272 = arith.constant 768 : index
    %get3A_273 = arith.constant 0 : index
    %get3A_274 = vector.load %arg1[%get3A_272, %get3A_273] : memref<2048x8xf32, #tpu.memory_space<vmem>>, vector<256x1xf32>
    %get3A_275 = arith.constant 768 : index
    %get3A_276 = arith.constant 1 : index
    %get3A_277 = vector.load %arg1[%get3A_275, %get3A_276] : memref<2048x8xf32, #tpu.memory_space<vmem>>, vector<256x1xf32>
    %get3A_278 = arith.constant 768 : index
    %get3A_279 = arith.constant 2 : index
    %get3A_280 = vector.load %arg1[%get3A_278, %get3A_279] : memref<2048x8xf32, #tpu.memory_space<vmem>>, vector<256x1xf32>
    %get3A_281 = arith.constant 768 : index
    %get3A_282 = arith.constant 3 : index
    %get3A_283 = vector.load %arg1[%get3A_281, %get3A_282] : memref<2048x8xf32, #tpu.memory_space<vmem>>, vector<256x1xf32>
    %get3A_284 = arith.constant 768 : index
    %get3A_285 = arith.constant 5 : index
    %get3A_286 = vector.load %arg1[%get3A_284, %get3A_285] : memref<2048x8xf32, #tpu.memory_space<vmem>>, vector<256x1xf32>
    %mul3A_287 = arith.constant 8.010000e+02 : f32
    %mul3A_288 = vector.broadcast %mul3A_287 : f32 to vector<256x1xf32>
    %mul3A_289 = arith.mulf %get3A_286, %mul3A_288 : vector<256x1xf32>
    %add3A_290 = arith.addf %get3A_274, %mul3A_289 : vector<256x1xf32>
    %add3A_291 = arith.addf %get3A_277, %mul3A_289 : vector<256x1xf32>
    %add3A_292 = arith.addf %get3A_280, %mul3A_289 : vector<256x1xf32>
    %add3A_293 = arith.addf %get3A_283, %mul3A_289 : vector<256x1xf32>
    %sub3A_294 = arith.subf %add3A_292, %add3A_290 : vector<256x1xf32>
    %jit3A_295 = arith.constant 0.000000e+00 : f32
    %max3A_296 = vector.broadcast %jit3A_295 : f32 to vector<256x1xf32>
    %max3A_297 = arith.maximumf %max3A_296, %sub3A_294 : vector<256x1xf32>
    %sub3A_298 = arith.subf %add3A_293, %add3A_291 : vector<256x1xf32>
    %jit3A_299 = arith.constant 0.000000e+00 : f32
    %max3A_300 = vector.broadcast %jit3A_299 : f32 to vector<256x1xf32>
    %max3A_301 = arith.maximumf %max3A_300, %sub3A_298 : vector<256x1xf32>
    %mul3A_302 = arith.mulf %max3A_297, %max3A_301 : vector<256x1xf32>
    %slice3A_303 = vector.extract_strided_slice %add3A {offsets = [0, 768], sizes = [1, 1280], strides = [1, 1]} : vector<1x2048xf32> to vector<1x1280xf32>
    %max3A_304 = vector.broadcast %add3A_290 : vector<256x1xf32> to vector<256x1280xf32>
    %max3A_305 = vector.broadcast %slice3A_303 : vector<1x1280xf32> to vector<256x1280xf32>
    %max3A_306 = arith.maximumf %max3A_304, %max3A_305 : vector<256x1280xf32>
    %slice3A_307 = vector.extract_strided_slice %add3A_19 {offsets = [0, 768], sizes = [1, 1280], strides = [1, 1]} : vector<1x2048xf32> to vector<1x1280xf32>
    %max3A_308 = vector.broadcast %add3A_291 : vector<256x1xf32> to vector<256x1280xf32>
    %max3A_309 = vector.broadcast %slice3A_307 : vector<1x1280xf32> to vector<256x1280xf32>
    %max3A_310 = arith.maximumf %max3A_308, %max3A_309 : vector<256x1280xf32>
    %slice3A_311 = vector.extract_strided_slice %add3A_20 {offsets = [0, 768], sizes = [1, 1280], strides = [1, 1]} : vector<1x2048xf32> to vector<1x1280xf32>
    %min3A_312 = vector.broadcast %add3A_292 : vector<256x1xf32> to vector<256x1280xf32>
    %min3A_313 = vector.broadcast %slice3A_311 : vector<1x1280xf32> to vector<256x1280xf32>
    %min3A_314 = arith.minimumf %min3A_312, %min3A_313 : vector<256x1280xf32>
    %slice3A_315 = vector.extract_strided_slice %add3A_21 {offsets = [0, 768], sizes = [1, 1280], strides = [1, 1]} : vector<1x2048xf32> to vector<1x1280xf32>
    %min3A_316 = vector.broadcast %add3A_293 : vector<256x1xf32> to vector<256x1280xf32>
    %min3A_317 = vector.broadcast %slice3A_315 : vector<1x1280xf32> to vector<256x1280xf32>
    %min3A_318 = arith.minimumf %min3A_316, %min3A_317 : vector<256x1280xf32>
    %sub3A_319 = arith.subf %min3A_314, %max3A_306 : vector<256x1280xf32>
    %jit3A_320 = arith.constant 0.000000e+00 : f32
    %max3A_321 = vector.broadcast %jit3A_320 : f32 to vector<256x1280xf32>
    %max3A_322 = arith.maximumf %max3A_321, %sub3A_319 : vector<256x1280xf32>
    %sub3A_323 = arith.subf %min3A_318, %max3A_310 : vector<256x1280xf32>
    %jit3A_324 = arith.constant 0.000000e+00 : f32
    %max3A_325 = vector.broadcast %jit3A_324 : f32 to vector<256x1280xf32>
    %max3A_326 = arith.maximumf %max3A_325, %sub3A_323 : vector<256x1280xf32>
    %mul3A_327 = arith.mulf %max3A_322, %max3A_326 : vector<256x1280xf32>
    %slice3A_328 = vector.extract_strided_slice %mul3A_27 {offsets = [0, 768], sizes = [1, 1280], strides = [1, 1]} : vector<1x2048xf32> to vector<1x1280xf32>
    %add3A_329 = vector.broadcast %mul3A_302 : vector<256x1xf32> to vector<256x1280xf32>
    %add3A_330 = vector.broadcast %slice3A_328 : vector<1x1280xf32> to vector<256x1280xf32>
    %add3A_331 = arith.addf %add3A_329, %add3A_330 : vector<256x1280xf32>
    %sub3A_332 = arith.subf %add3A_331, %mul3A_327 : vector<256x1280xf32>
    %max3A_333 = arith.constant 9.99999971E-10 : f32
    %max3A_334 = vector.broadcast %max3A_333 : f32 to vector<256x1280xf32>
    %max3A_335 = arith.maximumf %sub3A_332, %max3A_334 : vector<256x1280xf32>
    %div3A_336 = arith.divf %mul3A_327, %max3A_335 : vector<256x1280xf32>
    %iota3A_337 = tpu.iota {dimensions = array<i32: 0>} : vector<256x1xi32>
    %add3A_338 = arith.constant 768 : i32
    %add3A_339 = vector.broadcast %add3A_338 : i32 to vector<256x1xi32>
    %add3A_340 = arith.addi %add3A_339, %iota3A_337 : vector<256x1xi32>
    %gt3A_341 = arith.constant 5.000000e-01 : f32
    %gt3A_342 = vector.broadcast %gt3A_341 : f32 to vector<256x1280xf32>
    %gt3A_343 = arith.cmpf ogt, %div3A_336, %gt3A_342 : vector<256x1280xf32>
    %slice3A_344 = vector.extract_strided_slice %iota3A {offsets = [0, 768], sizes = [1, 1280], strides = [1, 1]} : vector<1x2048xi32> to vector<1x1280xi32>
    %lt3A_345 = vector.broadcast %add3A_340 : vector<256x1xi32> to vector<256x1280xi32>
    %lt3A_346 = vector.broadcast %slice3A_344 : vector<1x1280xi32> to vector<256x1280xi32>
    %lt3A_347 = arith.cmpi slt, %lt3A_345, %lt3A_346 : vector<256x1280xi32>
    %and3A_348 = arith.andi %gt3A_343, %lt3A_347 : vector<256x1280xi1>
    %broadcast_in_dim3A_349 = arith.constant 0.000000e+00 : bf16
    %broadcast_in_dim3A_350 = vector.broadcast %broadcast_in_dim3A_349 : bf16 to vector<256x768xbf16>
    %swap3A_351 = arith.constant 768 : index
    %swap3A_352 = arith.constant 0 : index
    %swap3A_353 = vector.load %arg3[%swap3A_351, %swap3A_352] : memref<2048x2048xbf16, #tpu.memory_space<vmem>>, vector<256x768xbf16>
    tpu.vector_store %arg3[%swap3A_351, %swap3A_352], %broadcast_in_dim3A_350 {strides = array<i32>} : memref<2048x2048xbf16, #tpu.memory_space<vmem>>, vector<256x768xbf16>,
    %convert_element_type3A_354 = arith.extui %and3A_348 : vector<256x1280xi1> to vector<256x1280xi32>
    %convert_element_type3A_355 = arith.sitofp %convert_element_type3A_354 : vector<256x1280xi32> to vector<256x1280xf32>
    %convert_element_type3A_356 = arith.truncf %convert_element_type3A_355 : vector<256x1280xf32> to vector<256x1280xbf16>
    %swap3A_357 = arith.constant 768 : index
    %swap3A_358 = arith.constant 768 : index
    %swap3A_359 = vector.load %arg3[%swap3A_357, %swap3A_358] : memref<2048x2048xbf16, #tpu.memory_space<vmem>>, vector<256x1280xbf16>
    tpu.vector_store %arg3[%swap3A_357, %swap3A_358], %convert_element_type3A_356 {strides = array<i32>} : memref<2048x2048xbf16, #tpu.memory_space<vmem>>, vector<256x1280xbf16>,
    %get3A_360 = arith.constant 1024 : index
    %get3A_361 = arith.constant 0 : index
    %get3A_362 = vector.load %arg1[%get3A_360, %get3A_361] : memref<2048x8xf32, #tpu.memory_space<vmem>>, vector<256x1xf32>
    %get3A_363 = arith.constant 1024 : index
    %get3A_364 = arith.constant 1 : index
    %get3A_365 = vector.load %arg1[%get3A_363, %get3A_364] : memref<2048x8xf32, #tpu.memory_space<vmem>>, vector<256x1xf32>
    %get3A_366 = arith.constant 1024 : index
    %get3A_367 = arith.constant 2 : index
    %get3A_368 = vector.load %arg1[%get3A_366, %get3A_367] : memref<2048x8xf32, #tpu.memory_space<vmem>>, vector<256x1xf32>
    %get3A_369 = arith.constant 1024 : index
    %get3A_370 = arith.constant 3 : index
    %get3A_371 = vector.load %arg1[%get3A_369, %get3A_370] : memref<2048x8xf32, #tpu.memory_space<vmem>>, vector<256x1xf32>
    %get3A_372 = arith.constant 1024 : index
    %get3A_373 = arith.constant 5 : index
    %get3A_374 = vector.load %arg1[%get3A_372, %get3A_373] : memref<2048x8xf32, #tpu.memory_space<vmem>>, vector<256x1xf32>
    %mul3A_375 = arith.constant 8.010000e+02 : f32
    %mul3A_376 = vector.broadcast %mul3A_375 : f32 to vector<256x1xf32>
    %mul3A_377 = arith.mulf %get3A_374, %mul3A_376 : vector<256x1xf32>
    %add3A_378 = arith.addf %get3A_362, %mul3A_377 : vector<256x1xf32>
    %add3A_379 = arith.addf %get3A_365, %mul3A_377 : vector<256x1xf32>
    %add3A_380 = arith.addf %get3A_368, %mul3A_377 : vector<256x1xf32>
    %add3A_381 = arith.addf %get3A_371, %mul3A_377 : vector<256x1xf32>
    %sub3A_382 = arith.subf %add3A_380, %add3A_378 : vector<256x1xf32>
    %jit3A_383 = arith.constant 0.000000e+00 : f32
    %max3A_384 = vector.broadcast %jit3A_383 : f32 to vector<256x1xf32>
    %max3A_385 = arith.maximumf %max3A_384, %sub3A_382 : vector<256x1xf32>
    %sub3A_386 = arith.subf %add3A_381, %add3A_379 : vector<256x1xf32>
    %jit3A_387 = arith.constant 0.000000e+00 : f32
    %max3A_388 = vector.broadcast %jit3A_387 : f32 to vector<256x1xf32>
    %max3A_389 = arith.maximumf %max3A_388, %sub3A_386 : vector<256x1xf32>
    %mul3A_390 = arith.mulf %max3A_385, %max3A_389 : vector<256x1xf32>
    %slice3A_391 = vector.extract_strided_slice %add3A {offsets = [0, 1024], sizes = [1, 1024], strides = [1, 1]} : vector<1x2048xf32> to vector<1x1024xf32>
    %max3A_392 = vector.broadcast %add3A_378 : vector<256x1xf32> to vector<256x1024xf32>
    %max3A_393 = vector.broadcast %slice3A_391 : vector<1x1024xf32> to vector<256x1024xf32>
    %max3A_394 = arith.maximumf %max3A_392, %max3A_393 : vector<256x1024xf32>
    %slice3A_395 = vector.extract_strided_slice %add3A_19 {offsets = [0, 1024], sizes = [1, 1024], strides = [1, 1]} : vector<1x2048xf32> to vector<1x1024xf32>
    %max3A_396 = vector.broadcast %add3A_379 : vector<256x1xf32> to vector<256x1024xf32>
    %max3A_397 = vector.broadcast %slice3A_395 : vector<1x1024xf32> to vector<256x1024xf32>
    %max3A_398 = arith.maximumf %max3A_396, %max3A_397 : vector<256x1024xf32>
    %slice3A_399 = vector.extract_strided_slice %add3A_20 {offsets = [0, 1024], sizes = [1, 1024], strides = [1, 1]} : vector<1x2048xf32> to vector<1x1024xf32>
    %min3A_400 = vector.broadcast %add3A_380 : vector<256x1xf32> to vector<256x1024xf32>
    %min3A_401 = vector.broadcast %slice3A_399 : vector<1x1024xf32> to vector<256x1024xf32>
    %min3A_402 = arith.minimumf %min3A_400, %min3A_401 : vector<256x1024xf32>
    %slice3A_403 = vector.extract_strided_slice %add3A_21 {offsets = [0, 1024], sizes = [1, 1024], strides = [1, 1]} : vector<1x2048xf32> to vector<1x1024xf32>
    %min3A_404 = vector.broadcast %add3A_381 : vector<256x1xf32> to vector<256x1024xf32>
    %min3A_405 = vector.broadcast %slice3A_403 : vector<1x1024xf32> to vector<256x1024xf32>
    %min3A_406 = arith.minimumf %min3A_404, %min3A_405 : vector<256x1024xf32>
    %sub3A_407 = arith.subf %min3A_402, %max3A_394 : vector<256x1024xf32>
    %jit3A_408 = arith.constant 0.000000e+00 : f32
    %max3A_409 = vector.broadcast %jit3A_408 : f32 to vector<256x1024xf32>
    %max3A_410 = arith.maximumf %max3A_409, %sub3A_407 : vector<256x1024xf32>
    %sub3A_411 = arith.subf %min3A_406, %max3A_398 : vector<256x1024xf32>
    %jit3A_412 = arith.constant 0.000000e+00 : f32
    %max3A_413 = vector.broadcast %jit3A_412 : f32 to vector<256x1024xf32>
    %max3A_414 = arith.maximumf %max3A_413, %sub3A_411 : vector<256x1024xf32>
    %mul3A_415 = arith.mulf %max3A_410, %max3A_414 : vector<256x1024xf32>
    %slice3A_416 = vector.extract_strided_slice %mul3A_27 {offsets = [0, 1024], sizes = [1, 1024], strides = [1, 1]} : vector<1x2048xf32> to vector<1x1024xf32>
    %add3A_417 = vector.broadcast %mul3A_390 : vector<256x1xf32> to vector<256x1024xf32>
    %add3A_418 = vector.broadcast %slice3A_416 : vector<1x1024xf32> to vector<256x1024xf32>
    %add3A_419 = arith.addf %add3A_417, %add3A_418 : vector<256x1024xf32>
    %sub3A_420 = arith.subf %add3A_419, %mul3A_415 : vector<256x1024xf32>
    %max3A_421 = arith.constant 9.99999971E-10 : f32
    %max3A_422 = vector.broadcast %max3A_421 : f32 to vector<256x1024xf32>
    %max3A_423 = arith.maximumf %sub3A_420, %max3A_422 : vector<256x1024xf32>
    %div3A_424 = arith.divf %mul3A_415, %max3A_423 : vector<256x1024xf32>
    %iota3A_425 = tpu.iota {dimensions = array<i32: 0>} : vector<256x1xi32>
    %add3A_426 = arith.constant 1024 : i32
    %add3A_427 = vector.broadcast %add3A_426 : i32 to vector<256x1xi32>
    %add3A_428 = arith.addi %add3A_427, %iota3A_425 : vector<256x1xi32>
    %gt3A_429 = arith.constant 5.000000e-01 : f32
    %gt3A_430 = vector.broadcast %gt3A_429 : f32 to vector<256x1024xf32>
    %gt3A_431 = arith.cmpf ogt, %div3A_424, %gt3A_430 : vector<256x1024xf32>
    %slice3A_432 = vector.extract_strided_slice %iota3A {offsets = [0, 1024], sizes = [1, 1024], strides = [1, 1]} : vector<1x2048xi32> to vector<1x1024xi32>
    %lt3A_433 = vector.broadcast %add3A_428 : vector<256x1xi32> to vector<256x1024xi32>
    %lt3A_434 = vector.broadcast %slice3A_432 : vector<1x1024xi32> to vector<256x1024xi32>
    %lt3A_435 = arith.cmpi slt, %lt3A_433, %lt3A_434 : vector<256x1024xi32>
    %and3A_436 = arith.andi %gt3A_431, %lt3A_435 : vector<256x1024xi1>
    %broadcast_in_dim3A_437 = arith.constant 0.000000e+00 : bf16
    %broadcast_in_dim3A_438 = vector.broadcast %broadcast_in_dim3A_437 : bf16 to vector<256x1024xbf16>
    %swap3A_439 = arith.constant 1024 : index
    %swap3A_440 = arith.constant 0 : index
    %swap3A_441 = vector.load %arg3[%swap3A_439, %swap3A_440] : memref<2048x2048xbf16, #tpu.memory_space<vmem>>, vector<256x1024xbf16>
    tpu.vector_store %arg3[%swap3A_439, %swap3A_440], %broadcast_in_dim3A_438 {strides = array<i32>} : memref<2048x2048xbf16, #tpu.memory_space<vmem>>, vector<256x1024xbf16>,
    %convert_element_type3A_442 = arith.extui %and3A_436 : vector<256x1024xi1> to vector<256x1024xi32>
    %convert_element_type3A_443 = arith.sitofp %convert_element_type3A_442 : vector<256x1024xi32> to vector<256x1024xf32>
    %convert_element_type3A_444 = arith.truncf %convert_element_type3A_443 : vector<256x1024xf32> to vector<256x1024xbf16>
    %swap3A_445 = arith.constant 1024 : index
    %swap3A_446 = arith.constant 1024 : index
    %swap3A_447 = vector.load %arg3[%swap3A_445, %swap3A_446] : memref<2048x2048xbf16, #tpu.memory_space<vmem>>, vector<256x1024xbf16>
    tpu.vector_store %arg3[%swap3A_445, %swap3A_446], %convert_element_type3A_444 {strides = array<i32>} : memref<2048x2048xbf16, #tpu.memory_space<vmem>>, vector<256x1024xbf16>,
    %get3A_448 = arith.constant 1280 : index
    %get3A_449 = arith.constant 0 : index
    %get3A_450 = vector.load %arg1[%get3A_448, %get3A_449] : memref<2048x8xf32, #tpu.memory_space<vmem>>, vector<256x1xf32>
    %get3A_451 = arith.constant 1280 : index
    %get3A_452 = arith.constant 1 : index
    %get3A_453 = vector.load %arg1[%get3A_451, %get3A_452] : memref<2048x8xf32, #tpu.memory_space<vmem>>, vector<256x1xf32>
    %get3A_454 = arith.constant 1280 : index
    %get3A_455 = arith.constant 2 : index
    %get3A_456 = vector.load %arg1[%get3A_454, %get3A_455] : memref<2048x8xf32, #tpu.memory_space<vmem>>, vector<256x1xf32>
    %get3A_457 = arith.constant 1280 : index
    %get3A_458 = arith.constant 3 : index
    %get3A_459 = vector.load %arg1[%get3A_457, %get3A_458] : memref<2048x8xf32, #tpu.memory_space<vmem>>, vector<256x1xf32>
    %get3A_460 = arith.constant 1280 : index
    %get3A_461 = arith.constant 5 : index
    %get3A_462 = vector.load %arg1[%get3A_460, %get3A_461] : memref<2048x8xf32, #tpu.memory_space<vmem>>, vector<256x1xf32>
    %mul3A_463 = arith.constant 8.010000e+02 : f32
    %mul3A_464 = vector.broadcast %mul3A_463 : f32 to vector<256x1xf32>
    %mul3A_465 = arith.mulf %get3A_462, %mul3A_464 : vector<256x1xf32>
    %add3A_466 = arith.addf %get3A_450, %mul3A_465 : vector<256x1xf32>
    %add3A_467 = arith.addf %get3A_453, %mul3A_465 : vector<256x1xf32>
    %add3A_468 = arith.addf %get3A_456, %mul3A_465 : vector<256x1xf32>
    %add3A_469 = arith.addf %get3A_459, %mul3A_465 : vector<256x1xf32>
    %sub3A_470 = arith.subf %add3A_468, %add3A_466 : vector<256x1xf32>
    %jit3A_471 = arith.constant 0.000000e+00 : f32
    %max3A_472 = vector.broadcast %jit3A_471 : f32 to vector<256x1xf32>
    %max3A_473 = arith.maximumf %max3A_472, %sub3A_470 : vector<256x1xf32>
    %sub3A_474 = arith.subf %add3A_469, %add3A_467 : vector<256x1xf32>
    %jit3A_475 = arith.constant 0.000000e+00 : f32
    %max3A_476 = vector.broadcast %jit3A_475 : f32 to vector<256x1xf32>
    %max3A_477 = arith.maximumf %max3A_476, %sub3A_474 : vector<256x1xf32>
    %mul3A_478 = arith.mulf %max3A_473, %max3A_477 : vector<256x1xf32>
    %slice3A_479 = vector.extract_strided_slice %add3A {offsets = [0, 1280], sizes = [1, 768], strides = [1, 1]} : vector<1x2048xf32> to vector<1x768xf32>
    %max3A_480 = vector.broadcast %add3A_466 : vector<256x1xf32> to vector<256x768xf32>
    %max3A_481 = vector.broadcast %slice3A_479 : vector<1x768xf32> to vector<256x768xf32>
    %max3A_482 = arith.maximumf %max3A_480, %max3A_481 : vector<256x768xf32>
    %slice3A_483 = vector.extract_strided_slice %add3A_19 {offsets = [0, 1280], sizes = [1, 768], strides = [1, 1]} : vector<1x2048xf32> to vector<1x768xf32>
    %max3A_484 = vector.broadcast %add3A_467 : vector<256x1xf32> to vector<256x768xf32>
    %max3A_485 = vector.broadcast %slice3A_483 : vector<1x768xf32> to vector<256x768xf32>
    %max3A_486 = arith.maximumf %max3A_484, %max3A_485 : vector<256x768xf32>
    %slice3A_487 = vector.extract_strided_slice %add3A_20 {offsets = [0, 1280], sizes = [1, 768], strides = [1, 1]} : vector<1x2048xf32> to vector<1x768xf32>
    %min3A_488 = vector.broadcast %add3A_468 : vector<256x1xf32> to vector<256x768xf32>
    %min3A_489 = vector.broadcast %slice3A_487 : vector<1x768xf32> to vector<256x768xf32>
    %min3A_490 = arith.minimumf %min3A_488, %min3A_489 : vector<256x768xf32>
    %slice3A_491 = vector.extract_strided_slice %add3A_21 {offsets = [0, 1280], sizes = [1, 768], strides = [1, 1]} : vector<1x2048xf32> to vector<1x768xf32>
    %min3A_492 = vector.broadcast %add3A_469 : vector<256x1xf32> to vector<256x768xf32>
    %min3A_493 = vector.broadcast %slice3A_491 : vector<1x768xf32> to vector<256x768xf32>
    %min3A_494 = arith.minimumf %min3A_492, %min3A_493 : vector<256x768xf32>
    %sub3A_495 = arith.subf %min3A_490, %max3A_482 : vector<256x768xf32>
    %jit3A_496 = arith.constant 0.000000e+00 : f32
    %max3A_497 = vector.broadcast %jit3A_496 : f32 to vector<256x768xf32>
    %max3A_498 = arith.maximumf %max3A_497, %sub3A_495 : vector<256x768xf32>
    %sub3A_499 = arith.subf %min3A_494, %max3A_486 : vector<256x768xf32>
    %jit3A_500 = arith.constant 0.000000e+00 : f32
    %max3A_501 = vector.broadcast %jit3A_500 : f32 to vector<256x768xf32>
    %max3A_502 = arith.maximumf %max3A_501, %sub3A_499 : vector<256x768xf32>
    %mul3A_503 = arith.mulf %max3A_498, %max3A_502 : vector<256x768xf32>
    %slice3A_504 = vector.extract_strided_slice %mul3A_27 {offsets = [0, 1280], sizes = [1, 768], strides = [1, 1]} : vector<1x2048xf32> to vector<1x768xf32>
    %add3A_505 = vector.broadcast %mul3A_478 : vector<256x1xf32> to vector<256x768xf32>
    %add3A_506 = vector.broadcast %slice3A_504 : vector<1x768xf32> to vector<256x768xf32>
    %add3A_507 = arith.addf %add3A_505, %add3A_506 : vector<256x768xf32>
    %sub3A_508 = arith.subf %add3A_507, %mul3A_503 : vector<256x768xf32>
    %max3A_509 = arith.constant 9.99999971E-10 : f32
    %max3A_510 = vector.broadcast %max3A_509 : f32 to vector<256x768xf32>
    %max3A_511 = arith.maximumf %sub3A_508, %max3A_510 : vector<256x768xf32>
    %div3A_512 = arith.divf %mul3A_503, %max3A_511 : vector<256x768xf32>
    %iota3A_513 = tpu.iota {dimensions = array<i32: 0>} : vector<256x1xi32>
    %add3A_514 = arith.constant 1280 : i32
    %add3A_515 = vector.broadcast %add3A_514 : i32 to vector<256x1xi32>
    %add3A_516 = arith.addi %add3A_515, %iota3A_513 : vector<256x1xi32>
    %gt3A_517 = arith.constant 5.000000e-01 : f32
    %gt3A_518 = vector.broadcast %gt3A_517 : f32 to vector<256x768xf32>
    %gt3A_519 = arith.cmpf ogt, %div3A_512, %gt3A_518 : vector<256x768xf32>
    %slice3A_520 = vector.extract_strided_slice %iota3A {offsets = [0, 1280], sizes = [1, 768], strides = [1, 1]} : vector<1x2048xi32> to vector<1x768xi32>
    %lt3A_521 = vector.broadcast %add3A_516 : vector<256x1xi32> to vector<256x768xi32>
    %lt3A_522 = vector.broadcast %slice3A_520 : vector<1x768xi32> to vector<256x768xi32>
    %lt3A_523 = arith.cmpi slt, %lt3A_521, %lt3A_522 : vector<256x768xi32>
    %and3A_524 = arith.andi %gt3A_519, %lt3A_523 : vector<256x768xi1>
    %broadcast_in_dim3A_525 = arith.constant 0.000000e+00 : bf16
    %broadcast_in_dim3A_526 = vector.broadcast %broadcast_in_dim3A_525 : bf16 to vector<256x1280xbf16>
    %swap3A_527 = arith.constant 1280 : index
    %swap3A_528 = arith.constant 0 : index
    %swap3A_529 = vector.load %arg3[%swap3A_527, %swap3A_528] : memref<2048x2048xbf16, #tpu.memory_space<vmem>>, vector<256x1280xbf16>
    tpu.vector_store %arg3[%swap3A_527, %swap3A_528], %broadcast_in_dim3A_526 {strides = array<i32>} : memref<2048x2048xbf16, #tpu.memory_space<vmem>>, vector<256x1280xbf16>,
    %convert_element_type3A_530 = arith.extui %and3A_524 : vector<256x768xi1> to vector<256x768xi32>
    %convert_element_type3A_531 = arith.sitofp %convert_element_type3A_530 : vector<256x768xi32> to vector<256x768xf32>
    %convert_element_type3A_532 = arith.truncf %convert_element_type3A_531 : vector<256x768xf32> to vector<256x768xbf16>
    %swap3A_533 = arith.constant 1280 : index
    %swap3A_534 = arith.constant 1280 : index
    %swap3A_535 = vector.load %arg3[%swap3A_533, %swap3A_534] : memref<2048x2048xbf16, #tpu.memory_space<vmem>>, vector<256x768xbf16>
    tpu.vector_store %arg3[%swap3A_533, %swap3A_534], %convert_element_type3A_532 {strides = array<i32>} : memref<2048x2048xbf16, #tpu.memory_space<vmem>>, vector<256x768xbf16>,
    %get3A_536 = arith.constant 1536 : index
    %get3A_537 = arith.constant 0 : index
    %get3A_538 = vector.load %arg1[%get3A_536, %get3A_537] : memref<2048x8xf32, #tpu.memory_space<vmem>>, vector<256x1xf32>
    %get3A_539 = arith.constant 1536 : index
    %get3A_540 = arith.constant 1 : index
    %get3A_541 = vector.load %arg1[%get3A_539, %get3A_540] : memref<2048x8xf32, #tpu.memory_space<vmem>>, vector<256x1xf32>
    %get3A_542 = arith.constant 1536 : index
    %get3A_543 = arith.constant 2 : index
    %get3A_544 = vector.load %arg1[%get3A_542, %get3A_543] : memref<2048x8xf32, #tpu.memory_space<vmem>>, vector<256x1xf32>
    %get3A_545 = arith.constant 1536 : index
    %get3A_546 = arith.constant 3 : index
    %get3A_547 = vector.load %arg1[%get3A_545, %get3A_546] : memref<2048x8xf32, #tpu.memory_space<vmem>>, vector<256x1xf32>
    %get3A_548 = arith.constant 1536 : index
    %get3A_549 = arith.constant 5 : index
    %get3A_550 = vector.load %arg1[%get3A_548, %get3A_549] : memref<2048x8xf32, #tpu.memory_space<vmem>>, vector<256x1xf32>
    %mul3A_551 = arith.constant 8.010000e+02 : f32
    %mul3A_552 = vector.broadcast %mul3A_551 : f32 to vector<256x1xf32>
    %mul3A_553 = arith.mulf %get3A_550, %mul3A_552 : vector<256x1xf32>
    %add3A_554 = arith.addf %get3A_538, %mul3A_553 : vector<256x1xf32>
    %add3A_555 = arith.addf %get3A_541, %mul3A_553 : vector<256x1xf32>
    %add3A_556 = arith.addf %get3A_544, %mul3A_553 : vector<256x1xf32>
    %add3A_557 = arith.addf %get3A_547, %mul3A_553 : vector<256x1xf32>
    %sub3A_558 = arith.subf %add3A_556, %add3A_554 : vector<256x1xf32>
    %jit3A_559 = arith.constant 0.000000e+00 : f32
    %max3A_560 = vector.broadcast %jit3A_559 : f32 to vector<256x1xf32>
    %max3A_561 = arith.maximumf %max3A_560, %sub3A_558 : vector<256x1xf32>
    %sub3A_562 = arith.subf %add3A_557, %add3A_555 : vector<256x1xf32>
    %jit3A_563 = arith.constant 0.000000e+00 : f32
    %max3A_564 = vector.broadcast %jit3A_563 : f32 to vector<256x1xf32>
    %max3A_565 = arith.maximumf %max3A_564, %sub3A_562 : vector<256x1xf32>
    %mul3A_566 = arith.mulf %max3A_561, %max3A_565 : vector<256x1xf32>
    %slice3A_567 = vector.extract_strided_slice %add3A {offsets = [0, 1536], sizes = [1, 512], strides = [1, 1]} : vector<1x2048xf32> to vector<1x512xf32>
    %max3A_568 = vector.broadcast %add3A_554 : vector<256x1xf32> to vector<256x512xf32>
    %max3A_569 = vector.broadcast %slice3A_567 : vector<1x512xf32> to vector<256x512xf32>
    %max3A_570 = arith.maximumf %max3A_568, %max3A_569 : vector<256x512xf32>
    %slice3A_571 = vector.extract_strided_slice %add3A_19 {offsets = [0, 1536], sizes = [1, 512], strides = [1, 1]} : vector<1x2048xf32> to vector<1x512xf32>
    %max3A_572 = vector.broadcast %add3A_555 : vector<256x1xf32> to vector<256x512xf32>
    %max3A_573 = vector.broadcast %slice3A_571 : vector<1x512xf32> to vector<256x512xf32>
    %max3A_574 = arith.maximumf %max3A_572, %max3A_573 : vector<256x512xf32>
    %slice3A_575 = vector.extract_strided_slice %add3A_20 {offsets = [0, 1536], sizes = [1, 512], strides = [1, 1]} : vector<1x2048xf32> to vector<1x512xf32>
    %min3A_576 = vector.broadcast %add3A_556 : vector<256x1xf32> to vector<256x512xf32>
    %min3A_577 = vector.broadcast %slice3A_575 : vector<1x512xf32> to vector<256x512xf32>
    %min3A_578 = arith.minimumf %min3A_576, %min3A_577 : vector<256x512xf32>
    %slice3A_579 = vector.extract_strided_slice %add3A_21 {offsets = [0, 1536], sizes = [1, 512], strides = [1, 1]} : vector<1x2048xf32> to vector<1x512xf32>
    %min3A_580 = vector.broadcast %add3A_557 : vector<256x1xf32> to vector<256x512xf32>
    %min3A_581 = vector.broadcast %slice3A_579 : vector<1x512xf32> to vector<256x512xf32>
    %min3A_582 = arith.minimumf %min3A_580, %min3A_581 : vector<256x512xf32>
    %sub3A_583 = arith.subf %min3A_578, %max3A_570 : vector<256x512xf32>
    %jit3A_584 = arith.constant 0.000000e+00 : f32
    %max3A_585 = vector.broadcast %jit3A_584 : f32 to vector<256x512xf32>
    %max3A_586 = arith.maximumf %max3A_585, %sub3A_583 : vector<256x512xf32>
    %sub3A_587 = arith.subf %min3A_582, %max3A_574 : vector<256x512xf32>
    %jit3A_588 = arith.constant 0.000000e+00 : f32
    %max3A_589 = vector.broadcast %jit3A_588 : f32 to vector<256x512xf32>
    %max3A_590 = arith.maximumf %max3A_589, %sub3A_587 : vector<256x512xf32>
    %mul3A_591 = arith.mulf %max3A_586, %max3A_590 : vector<256x512xf32>
    %slice3A_592 = vector.extract_strided_slice %mul3A_27 {offsets = [0, 1536], sizes = [1, 512], strides = [1, 1]} : vector<1x2048xf32> to vector<1x512xf32>
    %add3A_593 = vector.broadcast %mul3A_566 : vector<256x1xf32> to vector<256x512xf32>
    %add3A_594 = vector.broadcast %slice3A_592 : vector<1x512xf32> to vector<256x512xf32>
    %add3A_595 = arith.addf %add3A_593, %add3A_594 : vector<256x512xf32>
    %sub3A_596 = arith.subf %add3A_595, %mul3A_591 : vector<256x512xf32>
    %max3A_597 = arith.constant 9.99999971E-10 : f32
    %max3A_598 = vector.broadcast %max3A_597 : f32 to vector<256x512xf32>
    %max3A_599 = arith.maximumf %sub3A_596, %max3A_598 : vector<256x512xf32>
    %div3A_600 = arith.divf %mul3A_591, %max3A_599 : vector<256x512xf32>
    %iota3A_601 = tpu.iota {dimensions = array<i32: 0>} : vector<256x1xi32>
    %add3A_602 = arith.constant 1536 : i32
    %add3A_603 = vector.broadcast %add3A_602 : i32 to vector<256x1xi32>
    %add3A_604 = arith.addi %add3A_603, %iota3A_601 : vector<256x1xi32>
    %gt3A_605 = arith.constant 5.000000e-01 : f32
    %gt3A_606 = vector.broadcast %gt3A_605 : f32 to vector<256x512xf32>
    %gt3A_607 = arith.cmpf ogt, %div3A_600, %gt3A_606 : vector<256x512xf32>
    %slice3A_608 = vector.extract_strided_slice %iota3A {offsets = [0, 1536], sizes = [1, 512], strides = [1, 1]} : vector<1x2048xi32> to vector<1x512xi32>
    %lt3A_609 = vector.broadcast %add3A_604 : vector<256x1xi32> to vector<256x512xi32>
    %lt3A_610 = vector.broadcast %slice3A_608 : vector<1x512xi32> to vector<256x512xi32>
    %lt3A_611 = arith.cmpi slt, %lt3A_609, %lt3A_610 : vector<256x512xi32>
    %and3A_612 = arith.andi %gt3A_607, %lt3A_611 : vector<256x512xi1>
    %broadcast_in_dim3A_613 = arith.constant 0.000000e+00 : bf16
    %broadcast_in_dim3A_614 = vector.broadcast %broadcast_in_dim3A_613 : bf16 to vector<256x1536xbf16>
    %swap3A_615 = arith.constant 1536 : index
    %swap3A_616 = arith.constant 0 : index
    %swap3A_617 = vector.load %arg3[%swap3A_615, %swap3A_616] : memref<2048x2048xbf16, #tpu.memory_space<vmem>>, vector<256x1536xbf16>
    tpu.vector_store %arg3[%swap3A_615, %swap3A_616], %broadcast_in_dim3A_614 {strides = array<i32>} : memref<2048x2048xbf16, #tpu.memory_space<vmem>>, vector<256x1536xbf16>,
    %convert_element_type3A_618 = arith.extui %and3A_612 : vector<256x512xi1> to vector<256x512xi32>
    %convert_element_type3A_619 = arith.sitofp %convert_element_type3A_618 : vector<256x512xi32> to vector<256x512xf32>
    %convert_element_type3A_620 = arith.truncf %convert_element_type3A_619 : vector<256x512xf32> to vector<256x512xbf16>
    %swap3A_621 = arith.constant 1536 : index
    %swap3A_622 = arith.constant 1536 : index
    %swap3A_623 = vector.load %arg3[%swap3A_621, %swap3A_622] : memref<2048x2048xbf16, #tpu.memory_space<vmem>>, vector<256x512xbf16>
    tpu.vector_store %arg3[%swap3A_621, %swap3A_622], %convert_element_type3A_620 {strides = array<i32>} : memref<2048x2048xbf16, #tpu.memory_space<vmem>>, vector<256x512xbf16>,
    %get3A_624 = arith.constant 1792 : index
    %get3A_625 = arith.constant 0 : index
    %get3A_626 = vector.load %arg1[%get3A_624, %get3A_625] : memref<2048x8xf32, #tpu.memory_space<vmem>>, vector<256x1xf32>
    %get3A_627 = arith.constant 1792 : index
    %get3A_628 = arith.constant 1 : index
    %get3A_629 = vector.load %arg1[%get3A_627, %get3A_628] : memref<2048x8xf32, #tpu.memory_space<vmem>>, vector<256x1xf32>
    %get3A_630 = arith.constant 1792 : index
    %get3A_631 = arith.constant 2 : index
    %get3A_632 = vector.load %arg1[%get3A_630, %get3A_631] : memref<2048x8xf32, #tpu.memory_space<vmem>>, vector<256x1xf32>
    %get3A_633 = arith.constant 1792 : index
    %get3A_634 = arith.constant 3 : index
    %get3A_635 = vector.load %arg1[%get3A_633, %get3A_634] : memref<2048x8xf32, #tpu.memory_space<vmem>>, vector<256x1xf32>
    %get3A_636 = arith.constant 1792 : index
    %get3A_637 = arith.constant 5 : index
    %get3A_638 = vector.load %arg1[%get3A_636, %get3A_637] : memref<2048x8xf32, #tpu.memory_space<vmem>>, vector<256x1xf32>
    %mul3A_639 = arith.constant 8.010000e+02 : f32
    %mul3A_640 = vector.broadcast %mul3A_639 : f32 to vector<256x1xf32>
    %mul3A_641 = arith.mulf %get3A_638, %mul3A_640 : vector<256x1xf32>
    %add3A_642 = arith.addf %get3A_626, %mul3A_641 : vector<256x1xf32>
    %add3A_643 = arith.addf %get3A_629, %mul3A_641 : vector<256x1xf32>
    %add3A_644 = arith.addf %get3A_632, %mul3A_641 : vector<256x1xf32>
    %add3A_645 = arith.addf %get3A_635, %mul3A_641 : vector<256x1xf32>
    %sub3A_646 = arith.subf %add3A_644, %add3A_642 : vector<256x1xf32>
    %jit3A_647 = arith.constant 0.000000e+00 : f32
    %max3A_648 = vector.broadcast %jit3A_647 : f32 to vector<256x1xf32>
    %max3A_649 = arith.maximumf %max3A_648, %sub3A_646 : vector<256x1xf32>
    %sub3A_650 = arith.subf %add3A_645, %add3A_643 : vector<256x1xf32>
    %jit3A_651 = arith.constant 0.000000e+00 : f32
    %max3A_652 = vector.broadcast %jit3A_651 : f32 to vector<256x1xf32>
    %max3A_653 = arith.maximumf %max3A_652, %sub3A_650 : vector<256x1xf32>
    %mul3A_654 = arith.mulf %max3A_649, %max3A_653 : vector<256x1xf32>
    %slice3A_655 = vector.extract_strided_slice %add3A {offsets = [0, 1792], sizes = [1, 256], strides = [1, 1]} : vector<1x2048xf32> to vector<1x256xf32>
    %max3A_656 = vector.broadcast %add3A_642 : vector<256x1xf32> to vector<256x256xf32>
    %max3A_657 = vector.broadcast %slice3A_655 : vector<1x256xf32> to vector<256x256xf32>
    %max3A_658 = arith.maximumf %max3A_656, %max3A_657 : vector<256x256xf32>
    %slice3A_659 = vector.extract_strided_slice %add3A_19 {offsets = [0, 1792], sizes = [1, 256], strides = [1, 1]} : vector<1x2048xf32> to vector<1x256xf32>
    %max3A_660 = vector.broadcast %add3A_643 : vector<256x1xf32> to vector<256x256xf32>
    %max3A_661 = vector.broadcast %slice3A_659 : vector<1x256xf32> to vector<256x256xf32>
    %max3A_662 = arith.maximumf %max3A_660, %max3A_661 : vector<256x256xf32>
    %slice3A_663 = vector.extract_strided_slice %add3A_20 {offsets = [0, 1792], sizes = [1, 256], strides = [1, 1]} : vector<1x2048xf32> to vector<1x256xf32>
    %min3A_664 = vector.broadcast %add3A_644 : vector<256x1xf32> to vector<256x256xf32>
    %min3A_665 = vector.broadcast %slice3A_663 : vector<1x256xf32> to vector<256x256xf32>
    %min3A_666 = arith.minimumf %min3A_664, %min3A_665 : vector<256x256xf32>
    %slice3A_667 = vector.extract_strided_slice %add3A_21 {offsets = [0, 1792], sizes = [1, 256], strides = [1, 1]} : vector<1x2048xf32> to vector<1x256xf32>
    %min3A_668 = vector.broadcast %add3A_645 : vector<256x1xf32> to vector<256x256xf32>
    %min3A_669 = vector.broadcast %slice3A_667 : vector<1x256xf32> to vector<256x256xf32>
    %min3A_670 = arith.minimumf %min3A_668, %min3A_669 : vector<256x256xf32>
    %sub3A_671 = arith.subf %min3A_666, %max3A_658 : vector<256x256xf32>
    %jit3A_672 = arith.constant 0.000000e+00 : f32
    %max3A_673 = vector.broadcast %jit3A_672 : f32 to vector<256x256xf32>
    %max3A_674 = arith.maximumf %max3A_673, %sub3A_671 : vector<256x256xf32>
    %sub3A_675 = arith.subf %min3A_670, %max3A_662 : vector<256x256xf32>
    %jit3A_676 = arith.constant 0.000000e+00 : f32
    %max3A_677 = vector.broadcast %jit3A_676 : f32 to vector<256x256xf32>
    %max3A_678 = arith.maximumf %max3A_677, %sub3A_675 : vector<256x256xf32>
    %mul3A_679 = arith.mulf %max3A_674, %max3A_678 : vector<256x256xf32>
    %slice3A_680 = vector.extract_strided_slice %mul3A_27 {offsets = [0, 1792], sizes = [1, 256], strides = [1, 1]} : vector<1x2048xf32> to vector<1x256xf32>
    %add3A_681 = vector.broadcast %mul3A_654 : vector<256x1xf32> to vector<256x256xf32>
    %add3A_682 = vector.broadcast %slice3A_680 : vector<1x256xf32> to vector<256x256xf32>
    %add3A_683 = arith.addf %add3A_681, %add3A_682 : vector<256x256xf32>
    %sub3A_684 = arith.subf %add3A_683, %mul3A_679 : vector<256x256xf32>
    %max3A_685 = arith.constant 9.99999971E-10 : f32
    %max3A_686 = vector.broadcast %max3A_685 : f32 to vector<256x256xf32>
    %max3A_687 = arith.maximumf %sub3A_684, %max3A_686 : vector<256x256xf32>
    %div3A_688 = arith.divf %mul3A_679, %max3A_687 : vector<256x256xf32>
    %iota3A_689 = tpu.iota {dimensions = array<i32: 0>} : vector<256x1xi32>
    %add3A_690 = arith.constant 1792 : i32
    %add3A_691 = vector.broadcast %add3A_690 : i32 to vector<256x1xi32>
    %add3A_692 = arith.addi %add3A_691, %iota3A_689 : vector<256x1xi32>
    %gt3A_693 = arith.constant 5.000000e-01 : f32
    %gt3A_694 = vector.broadcast %gt3A_693 : f32 to vector<256x256xf32>
    %gt3A_695 = arith.cmpf ogt, %div3A_688, %gt3A_694 : vector<256x256xf32>
    %slice3A_696 = vector.extract_strided_slice %iota3A {offsets = [0, 1792], sizes = [1, 256], strides = [1, 1]} : vector<1x2048xi32> to vector<1x256xi32>
    %lt3A_697 = vector.broadcast %add3A_692 : vector<256x1xi32> to vector<256x256xi32>
    %lt3A_698 = vector.broadcast %slice3A_696 : vector<1x256xi32> to vector<256x256xi32>
    %lt3A_699 = arith.cmpi slt, %lt3A_697, %lt3A_698 : vector<256x256xi32>
    %and3A_700 = arith.andi %gt3A_695, %lt3A_699 : vector<256x256xi1>
    %broadcast_in_dim3A_701 = arith.constant 0.000000e+00 : bf16
    %broadcast_in_dim3A_702 = vector.broadcast %broadcast_in_dim3A_701 : bf16 to vector<256x1792xbf16>
    %swap3A_703 = arith.constant 1792 : index
    %swap3A_704 = arith.constant 0 : index
    %swap3A_705 = vector.load %arg3[%swap3A_703, %swap3A_704] : memref<2048x2048xbf16, #tpu.memory_space<vmem>>, vector<256x1792xbf16>
    tpu.vector_store %arg3[%swap3A_703, %swap3A_704], %broadcast_in_dim3A_702 {strides = array<i32>} : memref<2048x2048xbf16, #tpu.memory_space<vmem>>, vector<256x1792xbf16>,
    %convert_element_type3A_706 = arith.extui %and3A_700 : vector<256x256xi1> to vector<256x256xi32>
    %convert_element_type3A_707 = arith.sitofp %convert_element_type3A_706 : vector<256x256xi32> to vector<256x256xf32>
    %convert_element_type3A_708 = arith.truncf %convert_element_type3A_707 : vector<256x256xf32> to vector<256x256xbf16>
    %swap3A_709 = arith.constant 1792 : index
    %swap3A_710 = arith.constant 1792 : index
    %swap3A_711 = vector.load %arg3[%swap3A_709, %swap3A_710] : memref<2048x2048xbf16, #tpu.memory_space<vmem>>, vector<256x256xbf16>
    tpu.vector_store %arg3[%swap3A_709, %swap3A_710], %convert_element_type3A_708 {strides = array<i32>} : memref<2048x2048xbf16, #tpu.memory_space<vmem>>, vector<256x256xbf16>,
    %gt3A_712 = arith.constant 0.000000e+00 : f32
    %gt3A_713 = vector.broadcast %gt3A_712 : f32 to vector<1x2048xf32>
    %gt3A_714 = arith.cmpf ogt, %get3A_13, %gt3A_713 : vector<1x2048xf32>
    %convert_element_type3A_715 = arith.extui %gt3A_714 : vector<1x2048xi1> to vector<1x2048xi32>
    %convert_element_type3A_716 = arith.sitofp %convert_element_type3A_715 : vector<1x2048xi32> to vector<1x2048xf32>
    %while3A = arith.constant 0 : i32
    %while3A_717 = arith.constant true
    %while3A_718:3 = scf.while (%while3A_723 = %while3A, %while3A_724 = %convert_element_type3A_716, %while3A_725 = %while3A_717) : (i32, vector<1x2048xf32>, i1) -> (i32, vector<1x2048xf32>, i1) {
      %lt3A_726 = arith.constant 2048 : i32
      %lt3A_727 = arith.cmpi slt, %while3A_723, %lt3A_726 : i32
      %and3A_728 = arith.andi %while3A_725, %lt3A_727 : i1
      scf.condition(%and3A_728) %while3A_723, %while3A_724, %while3A_725 : i32, vector<1x2048xf32>, i1
    } do {
    ^bb0(%while3A_723: i32, %while3A_724: vector<1x2048xf32>, %while3A_725: i1):
      %convert_element_type3A_726 = arith.truncf %while3A_724 : vector<1x2048xf32> to vector<1x2048xbf16>
      %get3A_727 = arith.constant 0 : index
      %get3A_728 = arith.constant 0 : index
      %get3A_729 = vector.load %arg3[%get3A_727, %get3A_728] : memref<2048x2048xbf16, #tpu.memory_space<vmem>>, vector<2048x2048xbf16>
      %dot_general3A = arith.constant dense<0.000000e+00> : vector<1x2048xf32>
      %dot_general3A_730 = tpu.matmul %convert_element_type3A_726, %get3A_729, %dot_general3A {dimension_numbers = #tpu.dot_dimension_numbers<[1], [0], [0], [1], [0, 0, 1, 1], [], []>, transpose_lhs_hint = false} : vector<1x2048xbf16>, vector<2048x2048xbf16>, vector<1x2048xf32> -> vector<1x2048xf32>
      %lt3A_731 = arith.constant 5.000000e-01 : f32
      %lt3A_732 = vector.broadcast %lt3A_731 : f32 to vector<1x2048xf32>
      %lt3A_733 = arith.cmpf olt, %dot_general3A_730, %lt3A_732 : vector<1x2048xf32>
      %convert_element_type3A_734 = arith.extui %lt3A_733 : vector<1x2048xi1> to vector<1x2048xi32>
      %convert_element_type3A_735 = arith.sitofp %convert_element_type3A_734 : vector<1x2048xi32> to vector<1x2048xf32>
      %mul3A_736 = arith.mulf %convert_element_type3A_716, %convert_element_type3A_735 : vector<1x2048xf32>
      %ne3A = arith.cmpf one, %mul3A_736, %while3A_724 : vector<1x2048xf32>
      %reduce_or3A = arith.constant 1.000000e+00 : f32
      %reduce_or3A_737 = arith.constant 0.000000e+00 : f32
      %reduce_or3A_738 = vector.broadcast %reduce_or3A : f32 to vector<1x2048xf32>
      %reduce_or3A_739 = vector.broadcast %reduce_or3A_737 : f32 to vector<1x2048xf32>
      %reduce_or3A_740 = arith.select %ne3A, %reduce_or3A_738, %reduce_or3A_739 : vector<1x2048xi1>, vector<1x2048xf32>
      %reduce_or3A_741 = vector.shape_cast %reduce_or3A_740 : vector<1x2048xf32> to vector<1x1x2048xf32>
      %reduce_or3A_742 = arith.constant dense<0xFF800000> : vector<1xf32>
      %reduce_or3A_743 = vector.multi_reduction <maximumf>, %reduce_or3A_741, %reduce_or3A_742 [1, 2] : vector<1x1x2048xf32> to vector<1xf32>
      %reduce_or3A_744 = vector.shape_cast %reduce_or3A_743 : vector<1xf32> to vector<1x1x1xf32>
      %reduce_or3A_745 = vector.extract %reduce_or3A_744[0, 0, 0] : f32 from vector<1x1x1xf32>
      %reduce_or3A_746 = arith.constant 0.000000e+00 : f32
      %reduce_or3A_747 = arith.cmpf ogt, %reduce_or3A_745, %reduce_or3A_746 : f32
      %add3A_748 = arith.constant 1 : i32
      %add3A_749 = arith.addi %while3A_723, %add3A_748 : i32
      scf.yield %add3A_749, %mul3A_736, %reduce_or3A_747 : i32, vector<1x2048xf32>, i1
    }
    %mul3A_719 = arith.mulf %while3A_718#1, %get3A_13 : vector<1x2048xf32>
    %swap3A_720 = arith.constant 0 : index
    %swap3A_721 = arith.constant 0 : index
    %swap3A_722 = vector.load %arg2[%swap3A_720, %swap3A_721] : memref<1x2048xf32, #tpu.memory_space<vmem>>, vector<1x2048xf32>
    tpu.vector_store %arg2[%swap3A_720, %swap3A_721], %mul3A_719 {strides = array<i32>} : memref<1x2048xf32, #tpu.memory_space<vmem>>, vector<1x2048xf32>,
    return
  }
}

</mosaic_0001>

<sc_bundles>
// kernel: gather_offload_async_start.1
scs
__scs_entry_jumppad:
0x0: {  	(pc) =	sbr.rel $0x88, $3  }
0x1: {  	(tag) =	ssettag $0x0;
	lr =	simm.s32 $0x1  }
0x2: {  	[smem:$0x3F9E] =	sst lr;
	_ =	strace $0xD0000000  }
0x3: {  	_ = 	snop  }
0x4: {  	_ = 	snop  }
0x5: {  	_ = 	snop  }
0x6: {  	_ = 	snop  }
0x7: {  	_ = 	snop  }
__scs_overlays_trampoline_lowered:
0x8: {  	[smem:$0x3FAD] =	sst s0  }
0x9: {  	[smem:$0x3FAE] =	sst s1  }
0xa: {  	[smem:$0x3FAF] =	sst s2  }
0xb: {  	[smem:$0x3FB0] =	sst s3  }
0xc: {  	[smem:$0x3FB1] =	sst s4  }
0xd: {  	[smem:$0x3FB2] =	sst s5  }
0xe: {  	[smem:$0x3FB3] =	sst s6  }
0xf: {  	[smem:$0x3FB4] =	sst s7  }
0x10: {  	[smem:$0x3FB5] =	sst s8  }
0x11: {  	[smem:$0x3FB6] =	sst s9;
	s0 =	simm.s32 @!p0 $0x0  }
0x12: {  	s1 =	sld [smem:$0x3F9C];
	s0 =	simm.s32 @p0 $0x1  }
0x13: {  	[smem:$0x3FB7] =	sst s0;
	s0 =	simm.s32 @!p1 $0x0  }
0x14: {  	s2 =	sld [smem:$0x3F9B];
	s0 =	simm.s32 @p1 $0x1  }
0x15: {  	[smem:$0x3FB8] =	sst s0;
	s0 =	simm.s32 @!p2 $0x0  }
0x16: {  	s3 =	sld [smem:$0x3FDB];
	s0 =	simm.s32 @p2 $0x1  }
0x17: {  	s4 =	simm.s32 $0x1BF5;
	[smem:$0x3FBA] =	sst s0  }
0x18: {  	s0 =	sld [smem:$0x3F9D];
	_ =	swait.ge [sflag:s4], $0x0  }
0x19: {  	s7 =	sld [smem:$0x3F9E]  }
0x1a: {  	s8 =	sadd.s32 $0xFFFFE003, lr  }
0x1b: {  	s9 =	sadd.s32 $0xFFFFFEF7, lr;
	s5 =	simm.s32 $0xFFFFFFFF;
	p2 =	slt.u32 s8, $0xFFFFF086  }
0x1c: {  	p1 =	slt.u32 s9, $0xF7A;
	s5 =	simm.s32 @!p2 $0x0  }
0x1d: {  	s5 =	simm.s32 @p1 $0x1;
	p0 =	seq.s32 s7, s2  }
0x1e: {  	s7 =	smul.u32 @!p0 $0xF7A, s2;
	p2 =	seq.s32 @!p0 s5, $0x0  }
0x1f: {  	s9 =	smul.u32 $0xF7A, s1;
	s8 =	simm.s32 @!p0 $0x1BF5;
	p2 =	por !p2, p0  }
0x20: {  	[sflag:s8] =	ssyncset.s32 @!p0 $0xFFFFF086;
	s6 =	sadd.s32 @!p0 s3, s7;
	s7 =	simm.s32 @!p0 $0x108  }
0x21: {  	s3 =	sadd.s32 s3, s9;
	s6 =	sadd.s32 @!p0 $0x88, s6;
	s7 =	simm.s32 @p2 $0x1082  }
0x22: {  	[simem:s7], [sflag:s8] =	dma.local @!p0 [hbm:s6], $0xF7A  }
0x23: {  	s9 =	sor.u32 $0xD0000000, s2;
	s6 =	simm.s32 $0x108;
	_ =	swait.ge @!p0 [sflag:s8], $0x0  }
0x24: {  	s3 =	sadd.s32 $0x88, s3;
	s6 =	simm.s32 @!p1 $0x1082;
	[sflag:s4] =	ssyncset.s32 $0xFFFFF086  }
0x25: {  	[simem:s6], [sflag:s4] =	dma.local [hbm:s3], $0xF7A  }
0x26: {  	[smem:$0x3F9E] =	sst s1;
	(tag) =	ssettag s2;
	_ =	strace s9  }
0x27: {  	s1 =	sld [smem:$0x3FAE]  }
0x28: {  	s2 =	sld [smem:$0x3FAF]  }
0x29: {  	s4 =	sld [smem:$0x3FB1]  }
0x2a: {  	p0 =	seq.s32 s5, $0x0;
	s5 =	sld [smem:$0x3FB2]  }
0x2b: {  	s6 =	sld [smem:$0x3FB3]  }
0x2c: {  	s7 =	sld [smem:$0x3FB4]  }
0x2d: {  	s3 =	simm.s32 $0x108;
	s8 =	sld [smem:$0x3FB5]  }
0x2e: {  	s3 =	simm.s32 @!p0 $0x1082;
	s9 =	sld [smem:$0x3FB6]  }
0x2f: {  	lr =	sadd.s32 s0, s3;
	s0 =	sld [smem:$0x3FAD]  }
0x30: {  	s3 =	sld [smem:$0x3FB0]  }
0x31: {  	[smem:$0x3FB9] =	sst s10  }
0x32: {  	s10 =	sld [smem:$0x3FB7];
	_ =	sdelay $0x3  }
0x33: {  	p0 =	seq.s32 s10, $0x1;
	s10 =	sld [smem:$0x3FB9];
	_ =	sdelay $0x3  }
0x34: {  	[smem:$0x3FB9] =	sst s10  }
0x35: {  	s10 =	sld [smem:$0x3FB8];
	_ =	sdelay $0x3  }
0x36: {  	p1 =	seq.s32 s10, $0x1;
	s10 =	sld [smem:$0x3FB9];
	_ =	sdelay $0x3  }
0x37: {  	[smem:$0x3FB9] =	sst s10  }
0x38: {  	s10 =	sld [smem:$0x3FBA]  }
0x39: {  	_ = 	snop;
	(pc) =	sbr.ind lr, $3  }
0x3a: {  	_ = 	snop  }
0x3b: {  	_ = 	snop  }
0x3c: {  	p2 =	seq.s32 s10, $0x1;
	s10 =	sld [smem:$0x3FB9]  }
0x3d: {  	_ =	shalt  }
0x3e: {  	_ =	shalt  }
0x3f: {  	_ =	shalt  }
0x40: {  	_ =	shalt  }
0x41: {  	_ =	shalt  }
0x42: {  	_ =	shalt  }
0x43: {  	_ =	shalt  }
0x44: {  	_ =	shalt  }
0x45: {  	_ =	shalt  }
0x46: {  	_ =	shalt  }
0x47: {  	_ =	shalt  }
0x48: {  	_ =	shalt  }
0x49: {  	_ =	shalt  }
0x4a: {  	_ =	shalt  }
0x4b: {  	_ =	shalt  }
0x4c: {  	_ =	shalt  }
0x4d: {  	_ =	shalt  }
0x4e: {  	_ =	shalt  }
0x4f: {  	_ =	shalt  }
0x50: {  	_ =	shalt  }
0x51: {  	_ =	shalt  }
0x52: {  	_ =	shalt  }
0x53: {  	_ =	shalt  }
0x54: {  	_ =	shalt  }
0x55: {  	_ =	shalt  }
0x56: {  	_ =	shalt  }
0x57: {  	_ =	shalt  }
0x58: {  	_ =	shalt  }
0x59: {  	_ =	shalt  }
0x5a: {  	_ =	shalt  }
0x5b: {  	_ =	shalt  }
0x5c: {  	_ =	shalt  }
0x5d: {  	_ =	shalt  }
0x5e: {  	_ =	shalt  }
0x5f: {  	_ =	shalt  }
0x60: {  	_ =	shalt  }
0x61: {  	_ =	shalt  }
0x62: {  	_ =	shalt  }
0x63: {  	_ =	shalt  }
0x64: {  	_ =	shalt  }
0x65: {  	_ =	shalt  }
0x66: {  	_ =	shalt  }
0x67: {  	_ =	shalt  }
0x68: {  	_ =	shalt  }
0x69: {  	_ =	shalt  }
0x6a: {  	_ =	shalt  }
0x6b: {  	_ =	shalt  }
0x6c: {  	_ =	shalt  }
0x6d: {  	_ =	shalt  }
0x6e: {  	_ =	shalt  }
0x6f: {  	_ =	shalt  }
0x70: {  	_ =	shalt  }
0x71: {  	_ =	shalt  }
0x72: {  	_ =	shalt  }
0x73: {  	_ =	shalt  }
0x74: {  	_ =	shalt  }
0x75: {  	_ =	shalt  }
0x76: {  	_ =	shalt  }
0x77: {  	_ =	shalt  }
0x78: {  	_ =	shalt  }
0x79: {  	_ =	shalt  }
0x7a: {  	_ =	shalt  }
0x7b: {  	_ =	shalt  }
0x7c: {  	_ =	shalt  }
0x7d: {  	_ =	shalt  }
0x7e: {  	_ =	shalt  }
0x7f: {  	_ =	shalt  }
0x80: {  	_ =	shalt  }
0x81: {  	_ =	shalt  }
0x82: {  	_ =	shalt  }
0x83: {  	_ =	shalt  }
0x84: {  	_ =	shalt  }
0x85: {  	_ =	shalt  }
0x86: {  	_ =	shalt  }
0x87: {  	_ =	shalt  }
.Lfunc_end0:
.L_simem_size_0:
called_computation.1_lowered:
.L_overlay_start_0:
0x88: {  	s0 =	sld [smem:$0x3FD9]  }
0x89: {  	s1 =	sld [smem:$0x3FFE];
	_ =	sdelay $0x3  }
0x8a: {  	s0 =	sadd.s32 s1, s0  }
0x8b: {  	[smem:$0x3FC5] =	sst s0  }
0x8c: {  	_ = 	snop  }
0x8d: {  	(tm) =	ssettm $0x1  }
0x8e: {  	s15 =	sld [smem:$0x3FFB];
	_ =	sdelay $0x3  }
0x8f: {  	_ =	strace s15  }
0x90: {  	s0 =	sld [smem:$0x3FFC];
	_ =	sdelay $0x3  }
0x91: {  	_ =	strace s0  }
0x92: {  	s0 =	sld [smem:$0x3FFD];
	_ =	sdelay $0x3  }
0x93: {  	_ =	strace s0  }
0x94: {  	_ =	strace $0x8FFFFFFF  }
0x95: {  	s16 =	sld [smem:$0x3FDB];
	_ =	sdelay $0x1  }
0x96: {  	s17 =	simm.s32 $_scs_section_size  }
0x97: {  	s2 =	simm.s32 $_size__tile_overlayer_lowered;
	s3 =	simm.s32 $_tile_overlayer_lowered  }
0x98: {  	s20 =	simm.s32 $0x1BFF;
	s19 =	sshll.u32 s3, $0x1;
	s0 =	sadd.s32 s17, s16  }
0x99: {  	s4 =	simm.s32 $0x0;
	s18 =	sshll.u32 s2, $0x1;
	s2 =	sadd.s32 s19, s0  }
0x9a: {  	[timem:s4], [sflag:s20] =	dma.local [hbm:s2], s18  }
0x9b: {  	_ =	swait.ge [sflag:s20], s18  }
0x9c: {  	s1 =	ssub.s32 $0x0, s18;
	[sflag:s20] =	ssyncset.done $0x0  }
0x9d: {  	[sflag:s20] =	ssyncadd.s32 s1;
	_ =	sdelay $0x1  }
0x9e: {  	s21 =	simm.s32 $0x1B8B  }
0x9f: {  	_ =	swait.ge [sflag:s21], $0x1  }
0xa0: {  	[sflag:s21] =	ssyncset.done $0x0  }
0xa1: {  	s23 =	simm.s32 $0x1B8E;
	s22 =	sld [smem:$0x3FFE];
	[sflag:s21] =	ssyncadd.s32 $0xFFFFFFFF  }
0xa2: {  	s24 =	simm.s32 $execute0_lowered;
	[smem:$0x3FD2] =	sst s23  }
0xa3: {  	s2 =	sshll.u32 s24, $0x1;
	_ =	strace $0x80000049;
	[dreg:$0x1] =	wrdreg $0xFFFFFFFF  }
0xa4: {  	s25 =	simm.s32 $_size_execute0_lowered;
	s0 =	sadd.s32 s0, s2;
	[dreg:$0x0] =	wrdreg $0x0  }
0xa5: {  	s2 =	sshll.u32 s25, $0x1;
	[dreg:$0x2] =	wrdreg s0  }
0xa6: {  	[dreg:$0x3] =	wrdreg s2  }
0xa7: {  	[dreg:$0x4] =	wrdreg $0xC0  }
0xa8: {  	_ =	task [dreg:s4], $0x5FFFF  }
0xa9: {  	[dreg:$0x1] =	wrdreg $0xFFFFFFFF  }
0xaa: {  	[dreg:$0x0] =	wrdreg $0x60  }
0xab: {  	[dreg:$0x2] =	wrdreg s22  }
0xac: {  	[dreg:$0x3] =	wrdreg $0x9  }
0xad: {  	_ =	task.clear_ibuf [dreg:s4], $0x4FFFF;
	_ =	strace $0x90000049  }
0xae: {  	s26 =	simm.s32 $0x9;
	_ =	strace $0x8000004B  }
0xaf: {  	_ =	swait.ge [sflag:s26], $0x1  }
0xb0: {  	[sflag:s26] =	ssyncadd.s32 $0xFFFFFFFF  }
0xb1: {  	_ =	strace $0x9000004B  }
0xb2: {  	_ =	sfence  }
0xb3: {  	s28 =	sld [smem:$0x0];
	_ =	sdelay $0x1  }
0xb4: {  	s29 =	srdreg.scid  }
0xb5: {  	s30 =	sshll.u32 s29, $0xD;
	s31 =	sshrl.u32 s29, $0x2  }
0xb6: {  	s1 =	sand.u32 $0x1, s29;
	s2 =	sand.u32 $0x4000, s30;
	s0 =	sadd.s32 s31, s28  }
0xb7: {  	s1 =	sor.u32 s2, s1;
	s0 =	sshll.u32 s0, $0x11  }
0xb8: {  	s0 =	sor.u32 s0, s1  }
0xb9: {  	s0 =	sadd.s32 $0x8F2B, s0  }
0xba: {  	[sflag:s0] =	ssyncadd.remote.s32 $0x1  }
0xbb: {  	_ =	sfence.sel $0xFFFF  }
0xbc: {  	[dreg:$0x0] =	wrdreg $0xFFFFFFFF;
	(pc) =	sbr.abs _section_cstart, $3  }
0xbd: {  	[dreg:$0x1] =	wrdreg $0xFFFFFFFF  }
0xbe: {  	_ =	task.clear_ibuf [dreg:s4], $0x2FFFF;
	_ =	strace $0x9FFFFFFF  }
0xbf: {  	(tm) =	ssettm $0x7FFFFFFF  }
tec
execute0_lowered:
.L_overlay_start_1:
0x0: {  	(tag) =	ssettag $0x1  }
0x1: {  	s8 =	rddreg [dreg:$0x0]  }
0x2: {  	s0 =	rddreg [dreg:$0x1];
	_ =	strace $0x8000004A  }
0x3: {  	s1 =	stileid.u32;
	s5 =	simm.s32 $0x1;
	s6 =	simm.s32 $0x500  }
0x4: {  	s9 =	simm.s32 $0x1;
	s10 =	simm.s32 $0x3;
	s13 =	simm.s32 $0x0  }
0x5: {  	s12 =	simm.s32 $0x0;
	s2 =	sadd.s32 $0x6800, s8;
	s4 =	smul.u32 $0x50, s1  }
0x6: {  	s3 =	sadd.s32 $0x3400, s8;
	p0 =	slt.u32 s1, $0xA;
	[sflag:s5] =	ssyncpa.u1 $0x0  }
.Ltmp0:
0x7: {  	s6 =	simm.s32 @!p0 $0x0;
	s7 =	ssub.s32 $0x7D0, s4;
	(pc) =	sbr.rel .LBB2_1-.Ltmp0, $4  }
0x8: {  	s9 =	simm.s32 @!p0 $0x0;
	p0 =	sne.s32 s7, s6;
	s7 =	simm.s32 $0x1  }
0x9: {  	s8 =	sadd.s32 $0xCE00, s8;
	s6 =	simm.s32 $0x2;
	s7 =	simm.s32 @!p0 $0x0  }
0xa: {  	s11 =	smov.u32 s4;
	[sflag:s6] =	ssyncpa.u1 $0x0;
	s7 =	sadd.s32 s9, s7  }
0xb: {  	vm0 =	vmmov $0xffff;
	[sflag:s10] =	ssyncpa.u1 $0x0;
	s10 =	simm.s32 $0x0;
	s9 =	sadd.s32 $0x1, s7  }
.LBB2_4:
0xc: {  	v2 =	vnsel vm1, $0x0, v2  }
0xd: {  	vm1 =	vgt.s32 v0, $0x0;
	v2 =	vmin.u32 v2, $0x1869F  }
0xe: {  	v0 =	vnsel vm1, $0x0, v0  }
0xf: {  	v0 =	vmin.u32 v0, $0x1869F  }
0x10: {  	[tilespmem:s18], [sflag:$0x1] =	stream.indirect_vreg.gather [hbm4b:s2+s10], $0x1, v1, vm0, $0x4038;
	[tilespmem:$0x140] =	vst v63  }
0x11: {  	(ifvalue) =	ssetifvalue $0x7FFFFFFF  }
0x12: {  	[tilespmem:s15], [sflag:$0x1] =	stream.indirect_vreg.gather [hbm4b:s2+s10], $0x1, v2, vm0, $0x4038;
	[tilespmem:$0x140] =	vst v63  }
0x13: {  	s29 =	sadd.s32 $0x10, s15;
	(ifvalue) =	ssetifvalue $0x7FFFFFFF  }
0x14: {  	[tilespmem:s29], [sflag:$0x1] =	stream.indirect_vreg.gather [hbm4b:s2+s10], $0x1, v0, vm0, $0x4038;
	[tilespmem:$0x140] =	vst v63  }
0x15: {  	_ =	swait.ge [sflag:s5], $0x50  }
0x16: {  	s30 =	sshrl.u32 s13, $0x3;
	[sflag:s5] =	ssyncset.done $0x0  }
0x17: {  	s31 =	sand.u32 $0x7, s13;
	s15 =	sadd.s32 s8, s30;
	[sflag:s5] =	ssyncadd.s32 $0xFFFFFFB0  }
0x18: {  	[hbm4b:s15+s31] =	stream.linear.scatter [tilespmem:s14], [sflag:$0x3], $0x50, $0x38;
	[tilespmem:$0x140] =	vst v63  }
.LBB2_5:
0x19: {  	s15 =	sadd.s32 $0x500, s11  }
0x1a: {  	p1 =	sgt.s32 s15, $0x7CF  }
0x1b: {  	s15 =	smov.u32 @p1 s4;
	p1 =	sne.s32 s12, s9  }
.Ltmp1:
0x1c: {  	p0 =	slt.u32 s12, $0x2;
	(pc) =	sbr.rel @!p1 .LBB2_6-.Ltmp1, $4  }
0x1d: {  	s14 =	simm.s32 @!p0 $0x3  }
0x1e: {  	_ =	swait.ge @!p0 [sflag:s14], $0x50  }
0x1f: {  	s16 =	sadd.s32 $0x1, s12;
	s13 =	smov.u32 s11;
	[sflag:s14] =	ssyncset.done @!p0 $0x0  }
0x20: {  	s12 =	smov.u32 s16;
	s11 =	smov.u32 s15;
	[sflag:s14] =	ssyncadd.s32 @!p0 $0xFFFFFFB0  }
.LBB2_1:
0x21: {  	p0 =	sge.u32 s12, s7  }
0x22: {  	s14 =	sxor.u32 @!p0 $0x1, s12  }
0x23: {  	s14 =	smul.u32 @!p0 $0x140, s14  }
0x24: {  	s31 =	sadd.s32 $0xFFFFFFFF, s12;
	s15 =	sshrl.u32 @!p0 s11, $0x3  }
0x25: {  	s16 =	sand.u32 @!p0 $0x7, s11;
	s15 =	sadd.s32 @!p0 s3, s15;
	s14 =	sshra.s32 @!p0 s14, $0x2  }
0x26: {  	[tilespmem:s14], [sflag:$0x2] =	stream.linear.gather @!p0 [hbm4b:s15+s16], $0x50, $0x38;
	[tilespmem:$0x140] =	vst v63  }
0x27: {  	p0 =	sge.u32 s31, s7  }
.Ltmp2:
0x28: {  	_ = 	snop;
	(pc) =	sbr.rel @p0 .LBB2_5-.Ltmp2, $1  }
0x29: {  	_ =	sdelay $0x3  }
0x2a: {  	s14 =	sand.u32 $0x1, s12  }
0x2b: {  	_ =	swait.ge [sflag:s6], $0x50;
	p0 =	seq.s32 s14, $0x1;
	s14 =	simm.s32 $0x50  }
0x2c: {  	[sflag:s6] =	ssyncset.done $0x0;
	s14 =	simm.s32 @!p0 $0x0  }
0x2d: {  	[sflag:s6] =	ssyncadd.s32 $0xFFFFFFB0;
	(ifvalue) =	ssetifvalue $0x7FFFFFFF;
	v0 =	vld.msk [tilespmem:s14+$0x0 ss:$0x1], $0xffff;
	_ =	sdelay $0x4  }
0x2e: {  	s15 =	sadd.s32 $0x10, s14;
	vm1 =	vgt.s32 v0, $0x0  }
0x2f: {  	v2 =	vld.msk [tilespmem:s15+$0x0 ss:$0x1], $0xffff;
	v1 =	vnsel vm1, $0x0, v0  }
0x30: {  	v1 =	vmin.u32 v1, $0x1869F;
	_ =	sdelay $0x2  }
0x31: {  	s17 =	simm.s32 $0x20;
	s14 =	sor.u32 $0xA0, s14;
	s16 =	sadd.s32 $0x10, s15  }
0x32: {  	s15 =	sadd.s32 $0x10, s14;
	s18 =	smov.u32 s14;
	v0 =	vld.msk [tilespmem:s16+$0x0 ss:$0x1], $0xffff;
	vm1 =	vgt.s32 v2, $0x0;
	(ifvalue) =	ssetifvalue $0x7FFFFFFF  }
.LBB2_3:
0x33: {  	[tilespmem:s18], [sflag:$0x1] =	stream.indirect_vreg.gather [hbm4b:s2+s10], $0x1, v1, vm0, $0x4038;
	[tilespmem:$0x140] =	vst v63  }
0x34: {  	s17 =	sadd.s32 $0x10, s17  }
0x35: {  	v2 =	vnsel vm1, $0x0, v2;
	p0 =	slt.u32 s17, $0x40  }
.Ltmp3:
0x36: {  	s18 =	smov.u32 s15;
	v1 =	vmin.u32 v2, $0x1869F;
	(pc) =	sbr.rel @p0 .LBB2_3-.Ltmp3, $3  }
0x37: {  	_ =	sdelay $0x1  }
0x38: {  	s16 =	sadd.s32 $0x10, s16  }
0x39: {  	vm1 =	vgt.s32 v0, $0x0;
	s15 =	sadd.s32 $0x10, s15;
	v2 =	vmov v0;
	(ifvalue) =	ssetifvalue $0x7FFFFFFF;
	v0 =	vld.msk [tilespmem:s16+$0x0 ss:$0x1], $0xffff  }
.Ltmp4:
0x3a: {  	_ = 	snop;
	(pc) =	sbr.rel .LBB2_4-.Ltmp4, $1  }
0x3b: {  	_ =	sdelay $0x3  }
.LBB2_6:
0x3c: {  	_ =	sfence.sel $0x180000  }
0x3d: {  	s2 =	simm.s32 $0x2;
	[bflag:$0x0] =	sbarrier.arrive $0xFFFF  }
0x3e: {  	s30 =	simm.s32 $0x3;
	[sflag:s2] =	ssyncpa.u1 $0x1  }
0x3f: {  	s31 =	simm.s32 $0x1;
	[sflag:s30] =	ssyncpa.u1 $0x1  }
0x40: {  	[sflag:s31] =	ssyncpa.u1 $0x1  }
0x41: {  	p0 =	sne.s32 s1, $0x0;
	_ =	strace $0x9000004A  }
0x42: {  	s0 =	sadd.s32 @!p0 $0x100000, s0;
	[bflag:$0x2] =	sbarrier.arrive $0xFFFF  }
0x43: {  	[sflag:s0] =	ssyncadd.tile.s32 @!p0 $0x1;
	_ =	shalt  }
.Lfunc_end2:
_tile_overlayer_lowered:
.L_overlay_start_2:
0x44: {  	(tag) =	ssettag $0x2  }
0x45: {  	s0 =	rddreg [dreg:$0x0];
	s2 =	stileid.u32  }
0x46: {  	s1 =	rddreg [dreg:$0x1];
	p0 =	sne.s32 s2, $0x0  }
0x47: {  	s3 =	rddreg [dreg:$0x2];
	[bflag:$0x3] =	sbarrier.arrive $0xFFFF;
	s2 =	simm.s32 @!p0 $0x1C01  }
0x48: {  	[timem:s3], [sflag:s2] =	dma.local @!p0 [hbm:s0], s1  }
0x49: {  	s0 =	simm.s32 @!p0 $0x1  }
0x4a: {  	_ =	swait.ge @!p0 [sflag:s0], s1  }
0x4b: {  	s1 =	ssub.s32 @!p0 $0x0, s1;
	[sflag:s0] =	ssyncset.done @!p0 $0x0  }
0x4c: {  	[sflag:s0] =	ssyncadd.s32 @!p0 s1  }
0x4d: {  	[bflag:$0x3] =	sbarrier.arrive $0xFFFF  }
0x4e: {  	_ =	shalt  }

// kernel: gather_offload_async_start.2
scs
__scs_entry_jumppad:
0x0: {  	(pc) =	sbr.rel $0x88, $3  }
0x1: {  	(tag) =	ssettag $0x0;
	lr =	simm.s32 $0x1  }
0x2: {  	[smem:$0x3F9E] =	sst lr;
	_ =	strace $0xD0000000  }
0x3: {  	_ = 	snop  }
0x4: {  	_ = 	snop  }
0x5: {  	_ = 	snop  }
0x6: {  	_ = 	snop  }
0x7: {  	_ = 	snop  }
__scs_overlays_trampoline_lowered:
0x8: {  	[smem:$0x3FAD] =	sst s0  }
0x9: {  	[smem:$0x3FAE] =	sst s1  }
0xa: {  	[smem:$0x3FAF] =	sst s2  }
0xb: {  	[smem:$0x3FB0] =	sst s3  }
0xc: {  	[smem:$0x3FB1] =	sst s4  }
0xd: {  	[smem:$0x3FB2] =	sst s5  }
0xe: {  	[smem:$0x3FB3] =	sst s6  }
0xf: {  	[smem:$0x3FB4] =	sst s7  }
0x10: {  	[smem:$0x3FB5] =	sst s8  }
0x11: {  	[smem:$0x3FB6] =	sst s9;
	s0 =	simm.s32 @!p0 $0x0  }
0x12: {  	s1 =	sld [smem:$0x3F9C];
	s0 =	simm.s32 @p0 $0x1  }
0x13: {  	[smem:$0x3FB7] =	sst s0;
	s0 =	simm.s32 @!p1 $0x0  }
0x14: {  	s2 =	sld [smem:$0x3F9B];
	s0 =	simm.s32 @p1 $0x1  }
0x15: {  	[smem:$0x3FB8] =	sst s0;
	s0 =	simm.s32 @!p2 $0x0  }
0x16: {  	s3 =	sld [smem:$0x3FDB];
	s0 =	simm.s32 @p2 $0x1  }
0x17: {  	s4 =	simm.s32 $0x1BF5;
	[smem:$0x3FBA] =	sst s0  }
0x18: {  	s0 =	sld [smem:$0x3F9D];
	_ =	swait.ge [sflag:s4], $0x0  }
0x19: {  	s7 =	sld [smem:$0x3F9E]  }
0x1a: {  	s8 =	sadd.s32 $0xFFFFE003, lr  }
0x1b: {  	s9 =	sadd.s32 $0xFFFFFEF7, lr;
	s5 =	simm.s32 $0xFFFFFFFF;
	p2 =	slt.u32 s8, $0xFFFFF086  }
0x1c: {  	p1 =	slt.u32 s9, $0xF7A;
	s5 =	simm.s32 @!p2 $0x0  }
0x1d: {  	s5 =	simm.s32 @p1 $0x1;
	p0 =	seq.s32 s7, s2  }
0x1e: {  	s7 =	smul.u32 @!p0 $0xF7A, s2;
	p2 =	seq.s32 @!p0 s5, $0x0  }
0x1f: {  	s9 =	smul.u32 $0xF7A, s1;
	s8 =	simm.s32 @!p0 $0x1BF5;
	p2 =	por !p2, p0  }
0x20: {  	[sflag:s8] =	ssyncset.s32 @!p0 $0xFFFFF086;
	s6 =	sadd.s32 @!p0 s3, s7;
	s7 =	simm.s32 @!p0 $0x108  }
0x21: {  	s3 =	sadd.s32 s3, s9;
	s6 =	sadd.s32 @!p0 $0x88, s6;
	s7 =	simm.s32 @p2 $0x1082  }
0x22: {  	[simem:s7], [sflag:s8] =	dma.local @!p0 [hbm:s6], $0xF7A  }
0x23: {  	s9 =	sor.u32 $0xD0000000, s2;
	s6 =	simm.s32 $0x108;
	_ =	swait.ge @!p0 [sflag:s8], $0x0  }
0x24: {  	s3 =	sadd.s32 $0x88, s3;
	s6 =	simm.s32 @!p1 $0x1082;
	[sflag:s4] =	ssyncset.s32 $0xFFFFF086  }
0x25: {  	[simem:s6], [sflag:s4] =	dma.local [hbm:s3], $0xF7A  }
0x26: {  	[smem:$0x3F9E] =	sst s1;
	(tag) =	ssettag s2;
	_ =	strace s9  }
0x27: {  	s1 =	sld [smem:$0x3FAE]  }
0x28: {  	s2 =	sld [smem:$0x3FAF]  }
0x29: {  	s4 =	sld [smem:$0x3FB1]  }
0x2a: {  	p0 =	seq.s32 s5, $0x0;
	s5 =	sld [smem:$0x3FB2]  }
0x2b: {  	s6 =	sld [smem:$0x3FB3]  }
0x2c: {  	s7 =	sld [smem:$0x3FB4]  }
0x2d: {  	s3 =	simm.s32 $0x108;
	s8 =	sld [smem:$0x3FB5]  }
0x2e: {  	s3 =	simm.s32 @!p0 $0x1082;
	s9 =	sld [smem:$0x3FB6]  }
0x2f: {  	lr =	sadd.s32 s0, s3;
	s0 =	sld [smem:$0x3FAD]  }
0x30: {  	s3 =	sld [smem:$0x3FB0]  }
0x31: {  	[smem:$0x3FB9] =	sst s10  }
0x32: {  	s10 =	sld [smem:$0x3FB7];
	_ =	sdelay $0x3  }
0x33: {  	p0 =	seq.s32 s10, $0x1;
	s10 =	sld [smem:$0x3FB9];
	_ =	sdelay $0x3  }
0x34: {  	[smem:$0x3FB9] =	sst s10  }
0x35: {  	s10 =	sld [smem:$0x3FB8];
	_ =	sdelay $0x3  }
0x36: {  	p1 =	seq.s32 s10, $0x1;
	s10 =	sld [smem:$0x3FB9];
	_ =	sdelay $0x3  }
0x37: {  	[smem:$0x3FB9] =	sst s10  }
0x38: {  	s10 =	sld [smem:$0x3FBA]  }
0x39: {  	_ = 	snop;
	(pc) =	sbr.ind lr, $3  }
0x3a: {  	_ = 	snop  }
0x3b: {  	_ = 	snop  }
0x3c: {  	p2 =	seq.s32 s10, $0x1;
	s10 =	sld [smem:$0x3FB9]  }
0x3d: {  	_ =	shalt  }
0x3e: {  	_ =	shalt  }
0x3f: {  	_ =	shalt  }
0x40: {  	_ =	shalt  }
0x41: {  	_ =	shalt  }
0x42: {  	_ =	shalt  }
0x43: {  	_ =	shalt  }
0x44: {  	_ =	shalt  }
0x45: {  	_ =	shalt  }
0x46: {  	_ =	shalt  }
0x47: {  	_ =	shalt  }
0x48: {  	_ =	shalt  }
0x49: {  	_ =	shalt  }
0x4a: {  	_ =	shalt  }
0x4b: {  	_ =	shalt  }
0x4c: {  	_ =	shalt  }
0x4d: {  	_ =	shalt  }
0x4e: {  	_ =	shalt  }
0x4f: {  	_ =	shalt  }
0x50: {  	_ =	shalt  }
0x51: {  	_ =	shalt  }
0x52: {  	_ =	shalt  }
0x53: {  	_ =	shalt  }
0x54: {  	_ =	shalt  }
0x55: {  	_ =	shalt  }
0x56: {  	_ =	shalt  }
0x57: {  	_ =	shalt  }
0x58: {  	_ =	shalt  }
0x59: {  	_ =	shalt  }
0x5a: {  	_ =	shalt  }
0x5b: {  	_ =	shalt  }
0x5c: {  	_ =	shalt  }
0x5d: {  	_ =	shalt  }
0x5e: {  	_ =	shalt  }
0x5f: {  	_ =	shalt  }
0x60: {  	_ =	shalt  }
0x61: {  	_ =	shalt  }
0x62: {  	_ =	shalt  }
0x63: {  	_ =	shalt  }
0x64: {  	_ =	shalt  }
0x65: {  	_ =	shalt  }
0x66: {  	_ =	shalt  }
0x67: {  	_ =	shalt  }
0x68: {  	_ =	shalt  }
0x69: {  	_ =	shalt  }
0x6a: {  	_ =	shalt  }
0x6b: {  	_ =	shalt  }
0x6c: {  	_ =	shalt  }
0x6d: {  	_ =	shalt  }
0x6e: {  	_ =	shalt  }
0x6f: {  	_ =	shalt  }
0x70: {  	_ =	shalt  }
0x71: {  	_ =	shalt  }
0x72: {  	_ =	shalt  }
0x73: {  	_ =	shalt  }
0x74: {  	_ =	shalt  }
0x75: {  	_ =	shalt  }
0x76: {  	_ =	shalt  }
0x77: {  	_ =	shalt  }
0x78: {  	_ =	shalt  }
0x79: {  	_ =	shalt  }
0x7a: {  	_ =	shalt  }
0x7b: {  	_ =	shalt  }
0x7c: {  	_ =	shalt  }
0x7d: {  	_ =	shalt  }
0x7e: {  	_ =	shalt  }
0x7f: {  	_ =	shalt  }
0x80: {  	_ =	shalt  }
0x81: {  	_ =	shalt  }
0x82: {  	_ =	shalt  }
0x83: {  	_ =	shalt  }
0x84: {  	_ =	shalt  }
0x85: {  	_ =	shalt  }
0x86: {  	_ =	shalt  }
0x87: {  	_ =	shalt  }
.Lfunc_end0:
.L_simem_size_0:
called_computation.2_lowered:
.L_overlay_start_0:
0x88: {  	s0 =	sld [smem:$0x3FD9]  }
0x89: {  	s1 =	sld [smem:$0x3FFE];
	_ =	sdelay $0x3  }
0x8a: {  	s0 =	sadd.s32 s1, s0  }
0x8b: {  	[smem:$0x3FC5] =	sst s0  }
0x8c: {  	_ = 	snop  }
0x8d: {  	(tm) =	ssettm $0x1  }
0x8e: {  	s15 =	sld [smem:$0x3FFB];
	_ =	sdelay $0x3  }
0x8f: {  	_ =	strace s15  }
0x90: {  	s0 =	sld [smem:$0x3FFC];
	_ =	sdelay $0x3  }
0x91: {  	_ =	strace s0  }
0x92: {  	s0 =	sld [smem:$0x3FFD];
	_ =	sdelay $0x3  }
0x93: {  	_ =	strace s0  }
0x94: {  	_ =	strace $0x8FFFFFFF  }
0x95: {  	s16 =	sld [smem:$0x3FDB];
	_ =	sdelay $0x1  }
0x96: {  	s17 =	simm.s32 $_scs_section_size  }
0x97: {  	s2 =	simm.s32 $_size__tile_overlayer_lowered;
	s3 =	simm.s32 $_tile_overlayer_lowered  }
0x98: {  	s20 =	simm.s32 $0x1BFF;
	s19 =	sshll.u32 s3, $0x1;
	s0 =	sadd.s32 s17, s16  }
0x99: {  	s4 =	simm.s32 $0x0;
	s18 =	sshll.u32 s2, $0x1;
	s2 =	sadd.s32 s19, s0  }
0x9a: {  	[timem:s4], [sflag:s20] =	dma.local [hbm:s2], s18  }
0x9b: {  	_ =	swait.ge [sflag:s20], s18  }
0x9c: {  	s1 =	ssub.s32 $0x0, s18;
	[sflag:s20] =	ssyncset.done $0x0  }
0x9d: {  	[sflag:s20] =	ssyncadd.s32 s1;
	_ =	sdelay $0x1  }
0x9e: {  	s21 =	simm.s32 $0x1B8B  }
0x9f: {  	_ =	swait.ge [sflag:s21], $0x1  }
0xa0: {  	[sflag:s21] =	ssyncset.done $0x0  }
0xa1: {  	s23 =	simm.s32 $0x1B8E;
	s22 =	sld [smem:$0x3FFE];
	[sflag:s21] =	ssyncadd.s32 $0xFFFFFFFF  }
0xa2: {  	s24 =	simm.s32 $execute0_lowered;
	[smem:$0x3FD2] =	sst s23  }
0xa3: {  	s2 =	sshll.u32 s24, $0x1;
	_ =	strace $0x8000004C;
	[dreg:$0x1] =	wrdreg $0xFFFFFFFF  }
0xa4: {  	s25 =	simm.s32 $_size_execute0_lowered;
	s0 =	sadd.s32 s0, s2;
	[dreg:$0x0] =	wrdreg $0x0  }
0xa5: {  	s2 =	sshll.u32 s25, $0x1;
	[dreg:$0x2] =	wrdreg s0  }
0xa6: {  	[dreg:$0x3] =	wrdreg s2  }
0xa7: {  	[dreg:$0x4] =	wrdreg $0xC0  }
0xa8: {  	_ =	task [dreg:s4], $0x5FFFF  }
0xa9: {  	[dreg:$0x1] =	wrdreg $0xFFFFFFFF  }
0xaa: {  	[dreg:$0x0] =	wrdreg $0x60  }
0xab: {  	[dreg:$0x2] =	wrdreg s22  }
0xac: {  	[dreg:$0x3] =	wrdreg $0xA  }
0xad: {  	_ =	task.clear_ibuf [dreg:s4], $0x4FFFF;
	_ =	strace $0x9000004C  }
0xae: {  	s26 =	simm.s32 $0xA;
	_ =	strace $0x8000004E  }
0xaf: {  	_ =	swait.ge [sflag:s26], $0x1  }
0xb0: {  	[sflag:s26] =	ssyncadd.s32 $0xFFFFFFFF  }
0xb1: {  	_ =	strace $0x9000004E  }
0xb2: {  	_ =	sfence  }
0xb3: {  	s28 =	sld [smem:$0x0];
	_ =	sdelay $0x1  }
0xb4: {  	s29 =	srdreg.scid  }
0xb5: {  	s30 =	sshll.u32 s29, $0xD;
	s31 =	sshrl.u32 s29, $0x2  }
0xb6: {  	s1 =	sand.u32 $0x1, s29;
	s2 =	sand.u32 $0x4000, s30;
	s0 =	sadd.s32 s31, s28  }
0xb7: {  	s1 =	sor.u32 s2, s1;
	s0 =	sshll.u32 s0, $0x11  }
0xb8: {  	s0 =	sor.u32 s0, s1  }
0xb9: {  	s0 =	sadd.s32 $0x8F2B, s0  }
0xba: {  	[sflag:s0] =	ssyncadd.remote.s32 $0x1  }
0xbb: {  	_ =	sfence.sel $0xFFFF  }
0xbc: {  	[dreg:$0x0] =	wrdreg $0xFFFFFFFF;
	(pc) =	sbr.abs _section_cstart, $3  }
0xbd: {  	[dreg:$0x1] =	wrdreg $0xFFFFFFFF  }
0xbe: {  	_ =	task.clear_ibuf [dreg:s4], $0x2FFFF;
	_ =	strace $0x9FFFFFFF  }
0xbf: {  	(tm) =	ssettm $0x7FFFFFFF  }
tec
execute0_lowered:
.L_overlay_start_1:
0x0: {  	(tag) =	ssettag $0x1  }
0x1: {  	s8 =	rddreg [dreg:$0x0]  }
0x2: {  	s0 =	rddreg [dreg:$0x1];
	_ =	strace $0x8000004D  }
0x3: {  	s1 =	stileid.u32;
	s5 =	simm.s32 $0x1;
	s6 =	simm.s32 $0x500  }
0x4: {  	s9 =	simm.s32 $0x1;
	s10 =	simm.s32 $0x3;
	s13 =	simm.s32 $0x0  }
0x5: {  	s12 =	simm.s32 $0x0;
	s2 =	sadd.s32 $0x9A00, s8;
	s4 =	smul.u32 $0x50, s1  }
0x6: {  	s3 =	sadd.s32 $0x3400, s8;
	p0 =	slt.u32 s1, $0xA;
	[sflag:s5] =	ssyncpa.u1 $0x0  }
.Ltmp0:
0x7: {  	s6 =	simm.s32 @!p0 $0x0;
	s7 =	ssub.s32 $0x7D0, s4;
	(pc) =	sbr.rel .LBB2_1-.Ltmp0, $4  }
0x8: {  	s9 =	simm.s32 @!p0 $0x0;
	p0 =	sne.s32 s7, s6;
	s7 =	simm.s32 $0x1  }
0x9: {  	s8 =	sadd.s32 $0x3600, s8;
	s6 =	simm.s32 $0x2;
	s7 =	simm.s32 @!p0 $0x0  }
0xa: {  	s11 =	smov.u32 s4;
	[sflag:s6] =	ssyncpa.u1 $0x0;
	s7 =	sadd.s32 s9, s7  }
0xb: {  	vm0 =	vmmov $0xffff;
	[sflag:s10] =	ssyncpa.u1 $0x0;
	s10 =	simm.s32 $0x0;
	s9 =	sadd.s32 $0x1, s7  }
.LBB2_4:
0xc: {  	v2 =	vnsel vm1, $0x0, v2  }
0xd: {  	vm1 =	vgt.s32 v0, $0x0;
	v2 =	vmin.u32 v2, $0x1869F  }
0xe: {  	v0 =	vnsel vm1, $0x0, v0  }
0xf: {  	v0 =	vmin.u32 v0, $0x1869F  }
0x10: {  	[tilespmem:s18], [sflag:$0x1] =	stream.indirect_vreg.gather [hbm4b:s2+s10], $0x1, v1, vm0, $0x4038;
	[tilespmem:$0x140] =	vst v63  }
0x11: {  	(ifvalue) =	ssetifvalue $0x7FFFFFFF  }
0x12: {  	[tilespmem:s15], [sflag:$0x1] =	stream.indirect_vreg.gather [hbm4b:s2+s10], $0x1, v2, vm0, $0x4038;
	[tilespmem:$0x140] =	vst v63  }
0x13: {  	s29 =	sadd.s32 $0x10, s15;
	(ifvalue) =	ssetifvalue $0x7FFFFFFF  }
0x14: {  	[tilespmem:s29], [sflag:$0x1] =	stream.indirect_vreg.gather [hbm4b:s2+s10], $0x1, v0, vm0, $0x4038;
	[tilespmem:$0x140] =	vst v63  }
0x15: {  	_ =	swait.ge [sflag:s5], $0x50  }
0x16: {  	s30 =	sshrl.u32 s13, $0x3;
	[sflag:s5] =	ssyncset.done $0x0  }
0x17: {  	s31 =	sand.u32 $0x7, s13;
	s15 =	sadd.s32 s8, s30;
	[sflag:s5] =	ssyncadd.s32 $0xFFFFFFB0  }
0x18: {  	[hbm4b:s15+s31] =	stream.linear.scatter [tilespmem:s14], [sflag:$0x3], $0x50, $0x38;
	[tilespmem:$0x140] =	vst v63  }
.LBB2_5:
0x19: {  	s15 =	sadd.s32 $0x500, s11  }
0x1a: {  	p1 =	sgt.s32 s15, $0x7CF  }
0x1b: {  	s15 =	smov.u32 @p1 s4;
	p1 =	sne.s32 s12, s9  }
.Ltmp1:
0x1c: {  	p0 =	slt.u32 s12, $0x2;
	(pc) =	sbr.rel @!p1 .LBB2_6-.Ltmp1, $4  }
0x1d: {  	s14 =	simm.s32 @!p0 $0x3  }
0x1e: {  	_ =	swait.ge @!p0 [sflag:s14], $0x50  }
0x1f: {  	s16 =	sadd.s32 $0x1, s12;
	s13 =	smov.u32 s11;
	[sflag:s14] =	ssyncset.done @!p0 $0x0  }
0x20: {  	s12 =	smov.u32 s16;
	s11 =	smov.u32 s15;
	[sflag:s14] =	ssyncadd.s32 @!p0 $0xFFFFFFB0  }
.LBB2_1:
0x21: {  	p0 =	sge.u32 s12, s7  }
0x22: {  	s14 =	sxor.u32 @!p0 $0x1, s12  }
0x23: {  	s14 =	smul.u32 @!p0 $0x140, s14  }
0x24: {  	s31 =	sadd.s32 $0xFFFFFFFF, s12;
	s15 =	sshrl.u32 @!p0 s11, $0x3  }
0x25: {  	s16 =	sand.u32 @!p0 $0x7, s11;
	s15 =	sadd.s32 @!p0 s3, s15;
	s14 =	sshra.s32 @!p0 s14, $0x2  }
0x26: {  	[tilespmem:s14], [sflag:$0x2] =	stream.linear.gather @!p0 [hbm4b:s15+s16], $0x50, $0x38;
	[tilespmem:$0x140] =	vst v63  }
0x27: {  	p0 =	sge.u32 s31, s7  }
.Ltmp2:
0x28: {  	_ = 	snop;
	(pc) =	sbr.rel @p0 .LBB2_5-.Ltmp2, $1  }
0x29: {  	_ =	sdelay $0x3  }
0x2a: {  	s14 =	sand.u32 $0x1, s12  }
0x2b: {  	_ =	swait.ge [sflag:s6], $0x50;
	p0 =	seq.s32 s14, $0x1;
	s14 =	simm.s32 $0x50  }
0x2c: {  	[sflag:s6] =	ssyncset.done $0x0;
	s14 =	simm.s32 @!p0 $0x0  }
0x2d: {  	[sflag:s6] =	ssyncadd.s32 $0xFFFFFFB0;
	(ifvalue) =	ssetifvalue $0x7FFFFFFF;
	v0 =	vld.msk [tilespmem:s14+$0x0 ss:$0x1], $0xffff;
	_ =	sdelay $0x4  }
0x2e: {  	s15 =	sadd.s32 $0x10, s14;
	vm1 =	vgt.s32 v0, $0x0  }
0x2f: {  	v2 =	vld.msk [tilespmem:s15+$0x0 ss:$0x1], $0xffff;
	v1 =	vnsel vm1, $0x0, v0  }
0x30: {  	v1 =	vmin.u32 v1, $0x1869F;
	_ =	sdelay $0x2  }
0x31: {  	s17 =	simm.s32 $0x20;
	s14 =	sor.u32 $0xA0, s14;
	s16 =	sadd.s32 $0x10, s15  }
0x32: {  	s15 =	sadd.s32 $0x10, s14;
	s18 =	smov.u32 s14;
	v0 =	vld.msk [tilespmem:s16+$0x0 ss:$0x1], $0xffff;
	vm1 =	vgt.s32 v2, $0x0;
	(ifvalue) =	ssetifvalue $0x7FFFFFFF  }
.LBB2_3:
0x33: {  	[tilespmem:s18], [sflag:$0x1] =	stream.indirect_vreg.gather [hbm4b:s2+s10], $0x1, v1, vm0, $0x4038;
	[tilespmem:$0x140] =	vst v63  }
0x34: {  	s17 =	sadd.s32 $0x10, s17  }
0x35: {  	v2 =	vnsel vm1, $0x0, v2;
	p0 =	slt.u32 s17, $0x40  }
.Ltmp3:
0x36: {  	s18 =	smov.u32 s15;
	v1 =	vmin.u32 v2, $0x1869F;
	(pc) =	sbr.rel @p0 .LBB2_3-.Ltmp3, $3  }
0x37: {  	_ =	sdelay $0x1  }
0x38: {  	s16 =	sadd.s32 $0x10, s16  }
0x39: {  	vm1 =	vgt.s32 v0, $0x0;
	s15 =	sadd.s32 $0x10, s15;
	v2 =	vmov v0;
	(ifvalue) =	ssetifvalue $0x7FFFFFFF;
	v0 =	vld.msk [tilespmem:s16+$0x0 ss:$0x1], $0xffff  }
.Ltmp4:
0x3a: {  	_ = 	snop;
	(pc) =	sbr.rel .LBB2_4-.Ltmp4, $1  }
0x3b: {  	_ =	sdelay $0x3  }
.LBB2_6:
0x3c: {  	_ =	sfence.sel $0x180000  }
0x3d: {  	s2 =	simm.s32 $0x2;
	[bflag:$0x0] =	sbarrier.arrive $0xFFFF  }
0x3e: {  	s30 =	simm.s32 $0x3;
	[sflag:s2] =	ssyncpa.u1 $0x1  }
0x3f: {  	s31 =	simm.s32 $0x1;
	[sflag:s30] =	ssyncpa.u1 $0x1  }
0x40: {  	[sflag:s31] =	ssyncpa.u1 $0x1  }
0x41: {  	p0 =	sne.s32 s1, $0x0;
	_ =	strace $0x9000004D  }
0x42: {  	s0 =	sadd.s32 @!p0 $0x100000, s0;
	[bflag:$0x2] =	sbarrier.arrive $0xFFFF  }
0x43: {  	[sflag:s0] =	ssyncadd.tile.s32 @!p0 $0x1;
	_ =	shalt  }
.Lfunc_end2:
_tile_overlayer_lowered:
.L_overlay_start_2:
0x44: {  	(tag) =	ssettag $0x2  }
0x45: {  	s0 =	rddreg [dreg:$0x0];
	s2 =	stileid.u32  }
0x46: {  	s1 =	rddreg [dreg:$0x1];
	p0 =	sne.s32 s2, $0x0  }
0x47: {  	s3 =	rddreg [dreg:$0x2];
	[bflag:$0x3] =	sbarrier.arrive $0xFFFF;
	s2 =	simm.s32 @!p0 $0x1C01  }
0x48: {  	[timem:s3], [sflag:s2] =	dma.local @!p0 [hbm:s0], s1  }
0x49: {  	s0 =	simm.s32 @!p0 $0x1  }
0x4a: {  	_ =	swait.ge @!p0 [sflag:s0], s1  }
0x4b: {  	s1 =	ssub.s32 @!p0 $0x0, s1;
	[sflag:s0] =	ssyncset.done @!p0 $0x0  }
0x4c: {  	[sflag:s0] =	ssyncadd.s32 @!p0 s1  }
0x4d: {  	[bflag:$0x3] =	sbarrier.arrive $0xFFFF  }
0x4e: {  	_ =	shalt  }

// kernel: gather_offload_async_start.3
scs
__scs_entry_jumppad:
0x0: {  	(pc) =	sbr.rel $0x88, $3  }
0x1: {  	(tag) =	ssettag $0x0;
	lr =	simm.s32 $0x1  }
0x2: {  	[smem:$0x3F9E] =	sst lr;
	_ =	strace $0xD0000000  }
0x3: {  	_ = 	snop  }
0x4: {  	_ = 	snop  }
0x5: {  	_ = 	snop  }
0x6: {  	_ = 	snop  }
0x7: {  	_ = 	snop  }
__scs_overlays_trampoline_lowered:
0x8: {  	[smem:$0x3FAD] =	sst s0  }
0x9: {  	[smem:$0x3FAE] =	sst s1  }
0xa: {  	[smem:$0x3FAF] =	sst s2  }
0xb: {  	[smem:$0x3FB0] =	sst s3  }
0xc: {  	[smem:$0x3FB1] =	sst s4  }
0xd: {  	[smem:$0x3FB2] =	sst s5  }
0xe: {  	[smem:$0x3FB3] =	sst s6  }
0xf: {  	[smem:$0x3FB4] =	sst s7  }
0x10: {  	[smem:$0x3FB5] =	sst s8  }
0x11: {  	[smem:$0x3FB6] =	sst s9;
	s0 =	simm.s32 @!p0 $0x0  }
0x12: {  	s1 =	sld [smem:$0x3F9C];
	s0 =	simm.s32 @p0 $0x1  }
0x13: {  	[smem:$0x3FB7] =	sst s0;
	s0 =	simm.s32 @!p1 $0x0  }
0x14: {  	s2 =	sld [smem:$0x3F9B];
	s0 =	simm.s32 @p1 $0x1  }
0x15: {  	[smem:$0x3FB8] =	sst s0;
	s0 =	simm.s32 @!p2 $0x0  }
0x16: {  	s3 =	sld [smem:$0x3FDB];
	s0 =	simm.s32 @p2 $0x1  }
0x17: {  	s4 =	simm.s32 $0x1BF5;
	[smem:$0x3FBA] =	sst s0  }
0x18: {  	s0 =	sld [smem:$0x3F9D];
	_ =	swait.ge [sflag:s4], $0x0  }
0x19: {  	s7 =	sld [smem:$0x3F9E]  }
0x1a: {  	s8 =	sadd.s32 $0xFFFFE003, lr  }
0x1b: {  	s9 =	sadd.s32 $0xFFFFFEF7, lr;
	s5 =	simm.s32 $0xFFFFFFFF;
	p2 =	slt.u32 s8, $0xFFFFF086  }
0x1c: {  	p1 =	slt.u32 s9, $0xF7A;
	s5 =	simm.s32 @!p2 $0x0  }
0x1d: {  	s5 =	simm.s32 @p1 $0x1;
	p0 =	seq.s32 s7, s2  }
0x1e: {  	s7 =	smul.u32 @!p0 $0xF7A, s2;
	p2 =	seq.s32 @!p0 s5, $0x0  }
0x1f: {  	s9 =	smul.u32 $0xF7A, s1;
	s8 =	simm.s32 @!p0 $0x1BF5;
	p2 =	por !p2, p0  }
0x20: {  	[sflag:s8] =	ssyncset.s32 @!p0 $0xFFFFF086;
	s6 =	sadd.s32 @!p0 s3, s7;
	s7 =	simm.s32 @!p0 $0x108  }
0x21: {  	s3 =	sadd.s32 s3, s9;
	s6 =	sadd.s32 @!p0 $0x88, s6;
	s7 =	simm.s32 @p2 $0x1082  }
0x22: {  	[simem:s7], [sflag:s8] =	dma.local @!p0 [hbm:s6], $0xF7A  }
0x23: {  	s9 =	sor.u32 $0xD0000000, s2;
	s6 =	simm.s32 $0x108;
	_ =	swait.ge @!p0 [sflag:s8], $0x0  }
0x24: {  	s3 =	sadd.s32 $0x88, s3;
	s6 =	simm.s32 @!p1 $0x1082;
	[sflag:s4] =	ssyncset.s32 $0xFFFFF086  }
0x25: {  	[simem:s6], [sflag:s4] =	dma.local [hbm:s3], $0xF7A  }
0x26: {  	[smem:$0x3F9E] =	sst s1;
	(tag) =	ssettag s2;
	_ =	strace s9  }
0x27: {  	s1 =	sld [smem:$0x3FAE]  }
0x28: {  	s2 =	sld [smem:$0x3FAF]  }
0x29: {  	s4 =	sld [smem:$0x3FB1]  }
0x2a: {  	p0 =	seq.s32 s5, $0x0;
	s5 =	sld [smem:$0x3FB2]  }
0x2b: {  	s6 =	sld [smem:$0x3FB3]  }
0x2c: {  	s7 =	sld [smem:$0x3FB4]  }
0x2d: {  	s3 =	simm.s32 $0x108;
	s8 =	sld [smem:$0x3FB5]  }
0x2e: {  	s3 =	simm.s32 @!p0 $0x1082;
	s9 =	sld [smem:$0x3FB6]  }
0x2f: {  	lr =	sadd.s32 s0, s3;
	s0 =	sld [smem:$0x3FAD]  }
0x30: {  	s3 =	sld [smem:$0x3FB0]  }
0x31: {  	[smem:$0x3FB9] =	sst s10  }
0x32: {  	s10 =	sld [smem:$0x3FB7];
	_ =	sdelay $0x3  }
0x33: {  	p0 =	seq.s32 s10, $0x1;
	s10 =	sld [smem:$0x3FB9];
	_ =	sdelay $0x3  }
0x34: {  	[smem:$0x3FB9] =	sst s10  }
0x35: {  	s10 =	sld [smem:$0x3FB8];
	_ =	sdelay $0x3  }
0x36: {  	p1 =	seq.s32 s10, $0x1;
	s10 =	sld [smem:$0x3FB9];
	_ =	sdelay $0x3  }
0x37: {  	[smem:$0x3FB9] =	sst s10  }
0x38: {  	s10 =	sld [smem:$0x3FBA]  }
0x39: {  	_ = 	snop;
	(pc) =	sbr.ind lr, $3  }
0x3a: {  	_ = 	snop  }
0x3b: {  	_ = 	snop  }
0x3c: {  	p2 =	seq.s32 s10, $0x1;
	s10 =	sld [smem:$0x3FB9]  }
0x3d: {  	_ =	shalt  }
0x3e: {  	_ =	shalt  }
0x3f: {  	_ =	shalt  }
0x40: {  	_ =	shalt  }
0x41: {  	_ =	shalt  }
0x42: {  	_ =	shalt  }
0x43: {  	_ =	shalt  }
0x44: {  	_ =	shalt  }
0x45: {  	_ =	shalt  }
0x46: {  	_ =	shalt  }
0x47: {  	_ =	shalt  }
0x48: {  	_ =	shalt  }
0x49: {  	_ =	shalt  }
0x4a: {  	_ =	shalt  }
0x4b: {  	_ =	shalt  }
0x4c: {  	_ =	shalt  }
0x4d: {  	_ =	shalt  }
0x4e: {  	_ =	shalt  }
0x4f: {  	_ =	shalt  }
0x50: {  	_ =	shalt  }
0x51: {  	_ =	shalt  }
0x52: {  	_ =	shalt  }
0x53: {  	_ =	shalt  }
0x54: {  	_ =	shalt  }
0x55: {  	_ =	shalt  }
0x56: {  	_ =	shalt  }
0x57: {  	_ =	shalt  }
0x58: {  	_ =	shalt  }
0x59: {  	_ =	shalt  }
0x5a: {  	_ =	shalt  }
0x5b: {  	_ =	shalt  }
0x5c: {  	_ =	shalt  }
0x5d: {  	_ =	shalt  }
0x5e: {  	_ =	shalt  }
0x5f: {  	_ =	shalt  }
0x60: {  	_ =	shalt  }
0x61: {  	_ =	shalt  }
0x62: {  	_ =	shalt  }
0x63: {  	_ =	shalt  }
0x64: {  	_ =	shalt  }
0x65: {  	_ =	shalt  }
0x66: {  	_ =	shalt  }
0x67: {  	_ =	shalt  }
0x68: {  	_ =	shalt  }
0x69: {  	_ =	shalt  }
0x6a: {  	_ =	shalt  }
0x6b: {  	_ =	shalt  }
0x6c: {  	_ =	shalt  }
0x6d: {  	_ =	shalt  }
0x6e: {  	_ =	shalt  }
0x6f: {  	_ =	shalt  }
0x70: {  	_ =	shalt  }
0x71: {  	_ =	shalt  }
0x72: {  	_ =	shalt  }
0x73: {  	_ =	shalt  }
0x74: {  	_ =	shalt  }
0x75: {  	_ =	shalt  }
0x76: {  	_ =	shalt  }
0x77: {  	_ =	shalt  }
0x78: {  	_ =	shalt  }
0x79: {  	_ =	shalt  }
0x7a: {  	_ =	shalt  }
0x7b: {  	_ =	shalt  }
0x7c: {  	_ =	shalt  }
0x7d: {  	_ =	shalt  }
0x7e: {  	_ =	shalt  }
0x7f: {  	_ =	shalt  }
0x80: {  	_ =	shalt  }
0x81: {  	_ =	shalt  }
0x82: {  	_ =	shalt  }
0x83: {  	_ =	shalt  }
0x84: {  	_ =	shalt  }
0x85: {  	_ =	shalt  }
0x86: {  	_ =	shalt  }
0x87: {  	_ =	shalt  }
.Lfunc_end0:
.L_simem_size_0:
called_computation.3_lowered:
.L_overlay_start_0:
0x88: {  	s0 =	sld [smem:$0x3FD9]  }
0x89: {  	s1 =	sld [smem:$0x3FFE];
	_ =	sdelay $0x3  }
0x8a: {  	s0 =	sadd.s32 s1, s0  }
0x8b: {  	[smem:$0x3FC5] =	sst s0  }
0x8c: {  	_ = 	snop  }
0x8d: {  	(tm) =	ssettm $0x1  }
0x8e: {  	s15 =	sld [smem:$0x3FFB];
	_ =	sdelay $0x3  }
0x8f: {  	_ =	strace s15  }
0x90: {  	s0 =	sld [smem:$0x3FFC];
	_ =	sdelay $0x3  }
0x91: {  	_ =	strace s0  }
0x92: {  	s0 =	sld [smem:$0x3FFD];
	_ =	sdelay $0x3  }
0x93: {  	_ =	strace s0  }
0x94: {  	_ =	strace $0x8FFFFFFF  }
0x95: {  	s16 =	sld [smem:$0x3FDB];
	_ =	sdelay $0x1  }
0x96: {  	s17 =	simm.s32 $_scs_section_size  }
0x97: {  	s2 =	simm.s32 $_size__tile_overlayer_lowered;
	s3 =	simm.s32 $_tile_overlayer_lowered  }
0x98: {  	s20 =	simm.s32 $0x1BFF;
	s19 =	sshll.u32 s3, $0x1;
	s0 =	sadd.s32 s17, s16  }
0x99: {  	s4 =	simm.s32 $0x0;
	s18 =	sshll.u32 s2, $0x1;
	s2 =	sadd.s32 s19, s0  }
0x9a: {  	[timem:s4], [sflag:s20] =	dma.local [hbm:s2], s18  }
0x9b: {  	_ =	swait.ge [sflag:s20], s18  }
0x9c: {  	s1 =	ssub.s32 $0x0, s18;
	[sflag:s20] =	ssyncset.done $0x0  }
0x9d: {  	[sflag:s20] =	ssyncadd.s32 s1;
	_ =	sdelay $0x1  }
0x9e: {  	s21 =	simm.s32 $0x1B8B  }
0x9f: {  	_ =	swait.ge [sflag:s21], $0x1  }
0xa0: {  	[sflag:s21] =	ssyncset.done $0x0  }
0xa1: {  	s23 =	simm.s32 $0x1B8E;
	s22 =	sld [smem:$0x3FFE];
	[sflag:s21] =	ssyncadd.s32 $0xFFFFFFFF  }
0xa2: {  	s24 =	simm.s32 $execute0_lowered;
	[smem:$0x3FD2] =	sst s23  }
0xa3: {  	s2 =	sshll.u32 s24, $0x1;
	_ =	strace $0x8000004F;
	[dreg:$0x1] =	wrdreg $0xFFFFFFFF  }
0xa4: {  	s25 =	simm.s32 $_size_execute0_lowered;
	s0 =	sadd.s32 s0, s2;
	[dreg:$0x0] =	wrdreg $0x0  }
0xa5: {  	s2 =	sshll.u32 s25, $0x1;
	[dreg:$0x2] =	wrdreg s0  }
0xa6: {  	[dreg:$0x3] =	wrdreg s2  }
0xa7: {  	[dreg:$0x4] =	wrdreg $0xC0  }
0xa8: {  	_ =	task [dreg:s4], $0x5FFFF  }
0xa9: {  	[dreg:$0x1] =	wrdreg $0xFFFFFFFF  }
0xaa: {  	[dreg:$0x0] =	wrdreg $0x60  }
0xab: {  	[dreg:$0x2] =	wrdreg s22  }
0xac: {  	[dreg:$0x3] =	wrdreg $0x9  }
0xad: {  	_ =	task.clear_ibuf [dreg:s4], $0x4FFFF;
	_ =	strace $0x9000004F  }
0xae: {  	s26 =	simm.s32 $0x9;
	_ =	strace $0x80000051  }
0xaf: {  	_ =	swait.ge [sflag:s26], $0x1  }
0xb0: {  	[sflag:s26] =	ssyncadd.s32 $0xFFFFFFFF  }
0xb1: {  	_ =	strace $0x90000051  }
0xb2: {  	_ =	sfence  }
0xb3: {  	s28 =	sld [smem:$0x0];
	_ =	sdelay $0x1  }
0xb4: {  	s29 =	srdreg.scid  }
0xb5: {  	s30 =	sshll.u32 s29, $0xD;
	s31 =	sshrl.u32 s29, $0x2  }
0xb6: {  	s1 =	sand.u32 $0x1, s29;
	s2 =	sand.u32 $0x4000, s30;
	s0 =	sadd.s32 s31, s28  }
0xb7: {  	s1 =	sor.u32 s2, s1;
	s0 =	sshll.u32 s0, $0x11  }
0xb8: {  	s0 =	sor.u32 s0, s1  }
0xb9: {  	s0 =	sadd.s32 $0x8F2B, s0  }
0xba: {  	[sflag:s0] =	ssyncadd.remote.s32 $0x1  }
0xbb: {  	_ =	sfence.sel $0xFFFF  }
0xbc: {  	[dreg:$0x0] =	wrdreg $0xFFFFFFFF;
	(pc) =	sbr.abs _section_cstart, $3  }
0xbd: {  	[dreg:$0x1] =	wrdreg $0xFFFFFFFF  }
0xbe: {  	_ =	task.clear_ibuf [dreg:s4], $0x2FFFF;
	_ =	strace $0x9FFFFFFF  }
0xbf: {  	(tm) =	ssettm $0x7FFFFFFF  }
tec
execute0_lowered:
.L_overlay_start_1:
0x0: {  	(tag) =	ssettag $0x1  }
0x1: {  	s2 =	rddreg [dreg:$0x0]  }
0x2: {  	s0 =	rddreg [dreg:$0x1]  }
0x3: {  	s1 =	stileid.u32;
	_ =	strace $0x80000050;
	s5 =	simm.s32 $0x1  }
0x4: {  	s6 =	simm.s32 $0x500;
	s8 =	simm.s32 $0x1;
	s9 =	simm.s32 $0x3  }
0x5: {  	s10 =	simm.s32 $0x0;
	s13 =	simm.s32 $0x0;
	s4 =	smul.u32 $0x50, s1  }
0x6: {  	s12 =	simm.s32 $0x0;
	s3 =	sadd.s32 $0x3400, s2;
	p0 =	slt.u32 s1, $0xA  }
.Ltmp0:
0x7: {  	s6 =	simm.s32 @!p0 $0x0;
	s7 =	ssub.s32 $0x7D0, s4;
	(pc) =	sbr.rel .LBB2_1-.Ltmp0, $4  }
0x8: {  	s8 =	simm.s32 @!p0 $0x0;
	p0 =	sne.s32 s7, s6;
	s7 =	simm.s32 $0x1  }
0x9: {  	[sflag:s5] =	ssyncpa.u1 $0x0;
	s6 =	simm.s32 $0x2;
	s7 =	simm.s32 @!p0 $0x0  }
0xa: {  	s11 =	smov.u32 s4;
	[sflag:s6] =	ssyncpa.u1 $0x0;
	s7 =	sadd.s32 s8, s7  }
0xb: {  	vm0 =	vmmov $0xffff;
	s8 =	sadd.s32 $0x3800, s2;
	[sflag:s9] =	ssyncpa.u1 $0x0;
	s9 =	sadd.s32 $0x1, s7  }
.LBB2_4:
0xc: {  	v2 =	vnsel vm1, $0x0, v2  }
0xd: {  	vm1 =	vgt.s32 v0, $0x0;
	v2 =	vmin.u32 v2, $0x1869F  }
0xe: {  	v0 =	vnsel vm1, $0x0, v0  }
0xf: {  	v0 =	vmin.u32 v0, $0x1869F  }
0x10: {  	[tilespmem:s18], [sflag:$0x1] =	stream.indirect_vreg.gather [hbm4b:s2+s10], $0x1, v1, vm0, $0x4038;
	[tilespmem:$0x140] =	vst v63  }
0x11: {  	(ifvalue) =	ssetifvalue $0x7FFFFFFF  }
0x12: {  	[tilespmem:s15], [sflag:$0x1] =	stream.indirect_vreg.gather [hbm4b:s2+s10], $0x1, v2, vm0, $0x4038;
	[tilespmem:$0x140] =	vst v63  }
0x13: {  	s29 =	sadd.s32 $0x10, s15;
	(ifvalue) =	ssetifvalue $0x7FFFFFFF  }
0x14: {  	[tilespmem:s29], [sflag:$0x1] =	stream.indirect_vreg.gather [hbm4b:s2+s10], $0x1, v0, vm0, $0x4038;
	[tilespmem:$0x140] =	vst v63  }
0x15: {  	_ =	swait.ge [sflag:s5], $0x50  }
0x16: {  	s30 =	sshrl.u32 s13, $0x3;
	[sflag:s5] =	ssyncset.done $0x0  }
0x17: {  	s31 =	sand.u32 $0x7, s13;
	s15 =	sadd.s32 s8, s30;
	[sflag:s5] =	ssyncadd.s32 $0xFFFFFFB0  }
0x18: {  	[hbm4b:s15+s31] =	stream.linear.scatter [tilespmem:s14], [sflag:$0x3], $0x50, $0x38;
	[tilespmem:$0x140] =	vst v63  }
.LBB2_5:
0x19: {  	s15 =	sadd.s32 $0x500, s11  }
0x1a: {  	p1 =	sgt.s32 s15, $0x7CF  }
0x1b: {  	s15 =	smov.u32 @p1 s4;
	p1 =	sne.s32 s12, s9  }
.Ltmp1:
0x1c: {  	p0 =	slt.u32 s12, $0x2;
	(pc) =	sbr.rel @!p1 .LBB2_6-.Ltmp1, $4  }
0x1d: {  	s14 =	simm.s32 @!p0 $0x3  }
0x1e: {  	_ =	swait.ge @!p0 [sflag:s14], $0x50  }
0x1f: {  	s16 =	sadd.s32 $0x1, s12;
	s13 =	smov.u32 s11;
	[sflag:s14] =	ssyncset.done @!p0 $0x0  }
0x20: {  	s12 =	smov.u32 s16;
	s11 =	smov.u32 s15;
	[sflag:s14] =	ssyncadd.s32 @!p0 $0xFFFFFFB0  }
.LBB2_1:
0x21: {  	p0 =	sge.u32 s12, s7  }
0x22: {  	s14 =	sxor.u32 @!p0 $0x1, s12  }
0x23: {  	s14 =	smul.u32 @!p0 $0x140, s14  }
0x24: {  	s31 =	sadd.s32 $0xFFFFFFFF, s12;
	s15 =	sshrl.u32 @!p0 s11, $0x3  }
0x25: {  	s16 =	sand.u32 @!p0 $0x7, s11;
	s15 =	sadd.s32 @!p0 s3, s15;
	s14 =	sshra.s32 @!p0 s14, $0x2  }
0x26: {  	[tilespmem:s14], [sflag:$0x2] =	stream.linear.gather @!p0 [hbm4b:s15+s16], $0x50, $0x38;
	[tilespmem:$0x140] =	vst v63  }
0x27: {  	p0 =	sge.u32 s31, s7  }
.Ltmp2:
0x28: {  	_ = 	snop;
	(pc) =	sbr.rel @p0 .LBB2_5-.Ltmp2, $1  }
0x29: {  	_ =	sdelay $0x3  }
0x2a: {  	s14 =	sand.u32 $0x1, s12  }
0x2b: {  	_ =	swait.ge [sflag:s6], $0x50;
	p0 =	seq.s32 s14, $0x1;
	s14 =	simm.s32 $0x50  }
0x2c: {  	[sflag:s6] =	ssyncset.done $0x0;
	s14 =	simm.s32 @!p0 $0x0  }
0x2d: {  	[sflag:s6] =	ssyncadd.s32 $0xFFFFFFB0;
	(ifvalue) =	ssetifvalue $0x7FFFFFFF;
	v0 =	vld.msk [tilespmem:s14+$0x0 ss:$0x1], $0xffff;
	_ =	sdelay $0x4  }
0x2e: {  	s15 =	sadd.s32 $0x10, s14;
	vm1 =	vgt.s32 v0, $0x0  }
0x2f: {  	v2 =	vld.msk [tilespmem:s15+$0x0 ss:$0x1], $0xffff;
	v1 =	vnsel vm1, $0x0, v0  }
0x30: {  	v1 =	vmin.u32 v1, $0x1869F;
	_ =	sdelay $0x2  }
0x31: {  	s17 =	simm.s32 $0x20;
	s14 =	sor.u32 $0xA0, s14;
	s16 =	sadd.s32 $0x10, s15  }
0x32: {  	s15 =	sadd.s32 $0x10, s14;
	s18 =	smov.u32 s14;
	v0 =	vld.msk [tilespmem:s16+$0x0 ss:$0x1], $0xffff;
	vm1 =	vgt.s32 v2, $0x0;
	(ifvalue) =	ssetifvalue $0x7FFFFFFF  }
.LBB2_3:
0x33: {  	[tilespmem:s18], [sflag:$0x1] =	stream.indirect_vreg.gather [hbm4b:s2+s10], $0x1, v1, vm0, $0x4038;
	[tilespmem:$0x140] =	vst v63  }
0x34: {  	s17 =	sadd.s32 $0x10, s17  }
0x35: {  	v2 =	vnsel vm1, $0x0, v2;
	p0 =	slt.u32 s17, $0x40  }
.Ltmp3:
0x36: {  	s18 =	smov.u32 s15;
	v1 =	vmin.u32 v2, $0x1869F;
	(pc) =	sbr.rel @p0 .LBB2_3-.Ltmp3, $3  }
0x37: {  	_ =	sdelay $0x1  }
0x38: {  	s16 =	sadd.s32 $0x10, s16  }
0x39: {  	vm1 =	vgt.s32 v0, $0x0;
	s15 =	sadd.s32 $0x10, s15;
	v2 =	vmov v0;
	(ifvalue) =	ssetifvalue $0x7FFFFFFF;
	v0 =	vld.msk [tilespmem:s16+$0x0 ss:$0x1], $0xffff  }
.Ltmp4:
0x3a: {  	_ = 	snop;
	(pc) =	sbr.rel .LBB2_4-.Ltmp4, $1  }
0x3b: {  	_ =	sdelay $0x3  }
.LBB2_6:
0x3c: {  	_ =	sfence.sel $0x180000  }
0x3d: {  	s2 =	simm.s32 $0x2;
	[bflag:$0x0] =	sbarrier.arrive $0xFFFF  }
0x3e: {  	s30 =	simm.s32 $0x3;
	[sflag:s2] =	ssyncpa.u1 $0x1  }
0x3f: {  	s31 =	simm.s32 $0x1;
	[sflag:s30] =	ssyncpa.u1 $0x1  }
0x40: {  	[sflag:s31] =	ssyncpa.u1 $0x1  }
0x41: {  	p0 =	sne.s32 s1, $0x0;
	_ =	strace $0x90000050  }
0x42: {  	s0 =	sadd.s32 @!p0 $0x100000, s0;
	[bflag:$0x2] =	sbarrier.arrive $0xFFFF  }
0x43: {  	[sflag:s0] =	ssyncadd.tile.s32 @!p0 $0x1;
	_ =	shalt  }
.Lfunc_end2:
_tile_overlayer_lowered:
.L_overlay_start_2:
0x44: {  	(tag) =	ssettag $0x2  }
0x45: {  	s0 =	rddreg [dreg:$0x0];
	s2 =	stileid.u32  }
0x46: {  	s1 =	rddreg [dreg:$0x1];
	p0 =	sne.s32 s2, $0x0  }
0x47: {  	s3 =	rddreg [dreg:$0x2];
	[bflag:$0x3] =	sbarrier.arrive $0xFFFF;
	s2 =	simm.s32 @!p0 $0x1C01  }
0x48: {  	[timem:s3], [sflag:s2] =	dma.local @!p0 [hbm:s0], s1  }
0x49: {  	s0 =	simm.s32 @!p0 $0x1  }
0x4a: {  	_ =	swait.ge @!p0 [sflag:s0], s1  }
0x4b: {  	s1 =	ssub.s32 @!p0 $0x0, s1;
	[sflag:s0] =	ssyncset.done @!p0 $0x0  }
0x4c: {  	[sflag:s0] =	ssyncadd.s32 @!p0 s1  }
0x4d: {  	[bflag:$0x3] =	sbarrier.arrive $0xFFFF  }
0x4e: {  	_ =	shalt  }

// kernel: gather_offload_async_start
scs
__scs_entry_jumppad:
0x0: {  	(pc) =	sbr.rel $0x88, $3  }
0x1: {  	(tag) =	ssettag $0x0;
	lr =	simm.s32 $0x1  }
0x2: {  	[smem:$0x3F9E] =	sst lr;
	_ =	strace $0xD0000000  }
0x3: {  	_ = 	snop  }
0x4: {  	_ = 	snop  }
0x5: {  	_ = 	snop  }
0x6: {  	_ = 	snop  }
0x7: {  	_ = 	snop  }
__scs_overlays_trampoline_lowered:
0x8: {  	[smem:$0x3FAD] =	sst s0  }
0x9: {  	[smem:$0x3FAE] =	sst s1  }
0xa: {  	[smem:$0x3FAF] =	sst s2  }
0xb: {  	[smem:$0x3FB0] =	sst s3  }
0xc: {  	[smem:$0x3FB1] =	sst s4  }
0xd: {  	[smem:$0x3FB2] =	sst s5  }
0xe: {  	[smem:$0x3FB3] =	sst s6  }
0xf: {  	[smem:$0x3FB4] =	sst s7  }
0x10: {  	[smem:$0x3FB5] =	sst s8  }
0x11: {  	[smem:$0x3FB6] =	sst s9;
	s0 =	simm.s32 @!p0 $0x0  }
0x12: {  	s1 =	sld [smem:$0x3F9C];
	s0 =	simm.s32 @p0 $0x1  }
0x13: {  	[smem:$0x3FB7] =	sst s0;
	s0 =	simm.s32 @!p1 $0x0  }
0x14: {  	s2 =	sld [smem:$0x3F9B];
	s0 =	simm.s32 @p1 $0x1  }
0x15: {  	[smem:$0x3FB8] =	sst s0;
	s0 =	simm.s32 @!p2 $0x0  }
0x16: {  	s3 =	sld [smem:$0x3FDB];
	s0 =	simm.s32 @p2 $0x1  }
0x17: {  	s4 =	simm.s32 $0x1BF5;
	[smem:$0x3FBA] =	sst s0  }
0x18: {  	s0 =	sld [smem:$0x3F9D];
	_ =	swait.ge [sflag:s4], $0x0  }
0x19: {  	s7 =	sld [smem:$0x3F9E]  }
0x1a: {  	s8 =	sadd.s32 $0xFFFFE003, lr  }
0x1b: {  	s9 =	sadd.s32 $0xFFFFFEF7, lr;
	s5 =	simm.s32 $0xFFFFFFFF;
	p2 =	slt.u32 s8, $0xFFFFF086  }
0x1c: {  	p1 =	slt.u32 s9, $0xF7A;
	s5 =	simm.s32 @!p2 $0x0  }
0x1d: {  	s5 =	simm.s32 @p1 $0x1;
	p0 =	seq.s32 s7, s2  }
0x1e: {  	s7 =	smul.u32 @!p0 $0xF7A, s2;
	p2 =	seq.s32 @!p0 s5, $0x0  }
0x1f: {  	s9 =	smul.u32 $0xF7A, s1;
	s8 =	simm.s32 @!p0 $0x1BF5;
	p2 =	por !p2, p0  }
0x20: {  	[sflag:s8] =	ssyncset.s32 @!p0 $0xFFFFF086;
	s6 =	sadd.s32 @!p0 s3, s7;
	s7 =	simm.s32 @!p0 $0x108  }
0x21: {  	s3 =	sadd.s32 s3, s9;
	s6 =	sadd.s32 @!p0 $0x88, s6;
	s7 =	simm.s32 @p2 $0x1082  }
0x22: {  	[simem:s7], [sflag:s8] =	dma.local @!p0 [hbm:s6], $0xF7A  }
0x23: {  	s9 =	sor.u32 $0xD0000000, s2;
	s6 =	simm.s32 $0x108;
	_ =	swait.ge @!p0 [sflag:s8], $0x0  }
0x24: {  	s3 =	sadd.s32 $0x88, s3;
	s6 =	simm.s32 @!p1 $0x1082;
	[sflag:s4] =	ssyncset.s32 $0xFFFFF086  }
0x25: {  	[simem:s6], [sflag:s4] =	dma.local [hbm:s3], $0xF7A  }
0x26: {  	[smem:$0x3F9E] =	sst s1;
	(tag) =	ssettag s2;
	_ =	strace s9  }
0x27: {  	s1 =	sld [smem:$0x3FAE]  }
0x28: {  	s2 =	sld [smem:$0x3FAF]  }
0x29: {  	s4 =	sld [smem:$0x3FB1]  }
0x2a: {  	p0 =	seq.s32 s5, $0x0;
	s5 =	sld [smem:$0x3FB2]  }
0x2b: {  	s6 =	sld [smem:$0x3FB3]  }
0x2c: {  	s7 =	sld [smem:$0x3FB4]  }
0x2d: {  	s3 =	simm.s32 $0x108;
	s8 =	sld [smem:$0x3FB5]  }
0x2e: {  	s3 =	simm.s32 @!p0 $0x1082;
	s9 =	sld [smem:$0x3FB6]  }
0x2f: {  	lr =	sadd.s32 s0, s3;
	s0 =	sld [smem:$0x3FAD]  }
0x30: {  	s3 =	sld [smem:$0x3FB0]  }
0x31: {  	[smem:$0x3FB9] =	sst s10  }
0x32: {  	s10 =	sld [smem:$0x3FB7];
	_ =	sdelay $0x3  }
0x33: {  	p0 =	seq.s32 s10, $0x1;
	s10 =	sld [smem:$0x3FB9];
	_ =	sdelay $0x3  }
0x34: {  	[smem:$0x3FB9] =	sst s10  }
0x35: {  	s10 =	sld [smem:$0x3FB8];
	_ =	sdelay $0x3  }
0x36: {  	p1 =	seq.s32 s10, $0x1;
	s10 =	sld [smem:$0x3FB9];
	_ =	sdelay $0x3  }
0x37: {  	[smem:$0x3FB9] =	sst s10  }
0x38: {  	s10 =	sld [smem:$0x3FBA]  }
0x39: {  	_ = 	snop;
	(pc) =	sbr.ind lr, $3  }
0x3a: {  	_ = 	snop  }
0x3b: {  	_ = 	snop  }
0x3c: {  	p2 =	seq.s32 s10, $0x1;
	s10 =	sld [smem:$0x3FB9]  }
0x3d: {  	_ =	shalt  }
0x3e: {  	_ =	shalt  }
0x3f: {  	_ =	shalt  }
0x40: {  	_ =	shalt  }
0x41: {  	_ =	shalt  }
0x42: {  	_ =	shalt  }
0x43: {  	_ =	shalt  }
0x44: {  	_ =	shalt  }
0x45: {  	_ =	shalt  }
0x46: {  	_ =	shalt  }
0x47: {  	_ =	shalt  }
0x48: {  	_ =	shalt  }
0x49: {  	_ =	shalt  }
0x4a: {  	_ =	shalt  }
0x4b: {  	_ =	shalt  }
0x4c: {  	_ =	shalt  }
0x4d: {  	_ =	shalt  }
0x4e: {  	_ =	shalt  }
0x4f: {  	_ =	shalt  }
0x50: {  	_ =	shalt  }
0x51: {  	_ =	shalt  }
0x52: {  	_ =	shalt  }
0x53: {  	_ =	shalt  }
0x54: {  	_ =	shalt  }
0x55: {  	_ =	shalt  }
0x56: {  	_ =	shalt  }
0x57: {  	_ =	shalt  }
0x58: {  	_ =	shalt  }
0x59: {  	_ =	shalt  }
0x5a: {  	_ =	shalt  }
0x5b: {  	_ =	shalt  }
0x5c: {  	_ =	shalt  }
0x5d: {  	_ =	shalt  }
0x5e: {  	_ =	shalt  }
0x5f: {  	_ =	shalt  }
0x60: {  	_ =	shalt  }
0x61: {  	_ =	shalt  }
0x62: {  	_ =	shalt  }
0x63: {  	_ =	shalt  }
0x64: {  	_ =	shalt  }
0x65: {  	_ =	shalt  }
0x66: {  	_ =	shalt  }
0x67: {  	_ =	shalt  }
0x68: {  	_ =	shalt  }
0x69: {  	_ =	shalt  }
0x6a: {  	_ =	shalt  }
0x6b: {  	_ =	shalt  }
0x6c: {  	_ =	shalt  }
0x6d: {  	_ =	shalt  }
0x6e: {  	_ =	shalt  }
0x6f: {  	_ =	shalt  }
0x70: {  	_ =	shalt  }
0x71: {  	_ =	shalt  }
0x72: {  	_ =	shalt  }
0x73: {  	_ =	shalt  }
0x74: {  	_ =	shalt  }
0x75: {  	_ =	shalt  }
0x76: {  	_ =	shalt  }
0x77: {  	_ =	shalt  }
0x78: {  	_ =	shalt  }
0x79: {  	_ =	shalt  }
0x7a: {  	_ =	shalt  }
0x7b: {  	_ =	shalt  }
0x7c: {  	_ =	shalt  }
0x7d: {  	_ =	shalt  }
0x7e: {  	_ =	shalt  }
0x7f: {  	_ =	shalt  }
0x80: {  	_ =	shalt  }
0x81: {  	_ =	shalt  }
0x82: {  	_ =	shalt  }
0x83: {  	_ =	shalt  }
0x84: {  	_ =	shalt  }
0x85: {  	_ =	shalt  }
0x86: {  	_ =	shalt  }
0x87: {  	_ =	shalt  }
.Lfunc_end0:
.L_simem_size_0:
called_computation_lowered:
.L_overlay_start_0:
0x88: {  	s0 =	sld [smem:$0x3FD9]  }
0x89: {  	s1 =	sld [smem:$0x3FFE];
	_ =	sdelay $0x3  }
0x8a: {  	s0 =	sadd.s32 s1, s0  }
0x8b: {  	[smem:$0x3FC5] =	sst s0  }
0x8c: {  	_ = 	snop  }
0x8d: {  	(tm) =	ssettm $0x1  }
0x8e: {  	s15 =	sld [smem:$0x3FFB];
	_ =	sdelay $0x3  }
0x8f: {  	_ =	strace s15  }
0x90: {  	s0 =	sld [smem:$0x3FFC];
	_ =	sdelay $0x3  }
0x91: {  	_ =	strace s0  }
0x92: {  	s0 =	sld [smem:$0x3FFD];
	_ =	sdelay $0x3  }
0x93: {  	_ =	strace s0  }
0x94: {  	_ =	strace $0x8FFFFFFF  }
0x95: {  	s16 =	sld [smem:$0x3FDB];
	_ =	sdelay $0x1  }
0x96: {  	s17 =	simm.s32 $_scs_section_size  }
0x97: {  	s2 =	simm.s32 $_size__tile_overlayer_lowered;
	s3 =	simm.s32 $_tile_overlayer_lowered  }
0x98: {  	s20 =	simm.s32 $0x1BFF;
	s19 =	sshll.u32 s3, $0x1;
	s0 =	sadd.s32 s17, s16  }
0x99: {  	s4 =	simm.s32 $0x0;
	s18 =	sshll.u32 s2, $0x1;
	s2 =	sadd.s32 s19, s0  }
0x9a: {  	[timem:s4], [sflag:s20] =	dma.local [hbm:s2], s18  }
0x9b: {  	_ =	swait.ge [sflag:s20], s18  }
0x9c: {  	s1 =	ssub.s32 $0x0, s18;
	[sflag:s20] =	ssyncset.done $0x0  }
0x9d: {  	[sflag:s20] =	ssyncadd.s32 s1;
	_ =	sdelay $0x1  }
0x9e: {  	s21 =	simm.s32 $0x1B8B  }
0x9f: {  	_ =	swait.ge [sflag:s21], $0x1  }
0xa0: {  	[sflag:s21] =	ssyncset.done $0x0  }
0xa1: {  	s23 =	simm.s32 $0x1B8E;
	s22 =	sld [smem:$0x3FFE];
	[sflag:s21] =	ssyncadd.s32 $0xFFFFFFFF  }
0xa2: {  	s24 =	simm.s32 $execute0_lowered;
	[smem:$0x3FD2] =	sst s23  }
0xa3: {  	s2 =	sshll.u32 s24, $0x1;
	_ =	strace $0x80000046;
	[dreg:$0x1] =	wrdreg $0xFFFFFFFF  }
0xa4: {  	s25 =	simm.s32 $_size_execute0_lowered;
	s0 =	sadd.s32 s0, s2;
	[dreg:$0x0] =	wrdreg $0x0  }
0xa5: {  	s2 =	sshll.u32 s25, $0x1;
	[dreg:$0x2] =	wrdreg s0  }
0xa6: {  	[dreg:$0x3] =	wrdreg s2  }
0xa7: {  	[dreg:$0x4] =	wrdreg $0xC0  }
0xa8: {  	_ =	task [dreg:s4], $0x5FFFF  }
0xa9: {  	[dreg:$0x1] =	wrdreg $0xFFFFFFFF  }
0xaa: {  	[dreg:$0x0] =	wrdreg $0x60  }
0xab: {  	[dreg:$0x2] =	wrdreg s22  }
0xac: {  	[dreg:$0x3] =	wrdreg $0xA  }
0xad: {  	_ =	task.clear_ibuf [dreg:s4], $0x4FFFF;
	_ =	strace $0x90000046  }
0xae: {  	s26 =	simm.s32 $0xA;
	_ =	strace $0x80000048  }
0xaf: {  	_ =	swait.ge [sflag:s26], $0x1  }
0xb0: {  	[sflag:s26] =	ssyncadd.s32 $0xFFFFFFFF  }
0xb1: {  	_ =	strace $0x90000048  }
0xb2: {  	_ =	sfence  }
0xb3: {  	s28 =	sld [smem:$0x0];
	_ =	sdelay $0x1  }
0xb4: {  	s29 =	srdreg.scid  }
0xb5: {  	s30 =	sshll.u32 s29, $0xD;
	s31 =	sshrl.u32 s29, $0x2  }
0xb6: {  	s1 =	sand.u32 $0x1, s29;
	s2 =	sand.u32 $0x4000, s30;
	s0 =	sadd.s32 s31, s28  }
0xb7: {  	s1 =	sor.u32 s2, s1;
	s0 =	sshll.u32 s0, $0x11  }
0xb8: {  	s0 =	sor.u32 s0, s1  }
0xb9: {  	s0 =	sadd.s32 $0x8F2B, s0  }
0xba: {  	[sflag:s0] =	ssyncadd.remote.s32 $0x1  }
0xbb: {  	_ =	sfence.sel $0xFFFF  }
0xbc: {  	[dreg:$0x0] =	wrdreg $0xFFFFFFFF;
	(pc) =	sbr.abs _section_cstart, $3  }
0xbd: {  	[dreg:$0x1] =	wrdreg $0xFFFFFFFF  }
0xbe: {  	_ =	task.clear_ibuf [dreg:s4], $0x2FFFF;
	_ =	strace $0x9FFFFFFF  }
0xbf: {  	(tm) =	ssettm $0x7FFFFFFF  }
tec
execute0_lowered:
.L_overlay_start_1:
0x0: {  	(tag) =	ssettag $0x1  }
0x1: {  	s8 =	rddreg [dreg:$0x0]  }
0x2: {  	s0 =	rddreg [dreg:$0x1];
	_ =	strace $0x80000047  }
0x3: {  	s1 =	stileid.u32;
	s5 =	simm.s32 $0x1;
	s6 =	simm.s32 $0x500  }
0x4: {  	s9 =	simm.s32 $0x1;
	s10 =	simm.s32 $0x3;
	s13 =	simm.s32 $0x0  }
0x5: {  	s12 =	simm.s32 $0x0;
	s2 =	sadd.s32 $0x3600, s8;
	s4 =	smul.u32 $0x50, s1  }
0x6: {  	s3 =	sadd.s32 $0x3400, s8;
	p0 =	slt.u32 s1, $0xA;
	[sflag:s5] =	ssyncpa.u1 $0x0  }
.Ltmp0:
0x7: {  	s6 =	simm.s32 @!p0 $0x0;
	s7 =	ssub.s32 $0x7D0, s4;
	(pc) =	sbr.rel .LBB2_1-.Ltmp0, $4  }
0x8: {  	s9 =	simm.s32 @!p0 $0x0;
	p0 =	sne.s32 s7, s6;
	s7 =	simm.s32 $0x1  }
0x9: {  	s8 =	sadd.s32 $0xCC00, s8;
	s6 =	simm.s32 $0x2;
	s7 =	simm.s32 @!p0 $0x0  }
0xa: {  	s11 =	smov.u32 s4;
	[sflag:s6] =	ssyncpa.u1 $0x0;
	s7 =	sadd.s32 s9, s7  }
0xb: {  	vm0 =	vmmov $0xffff;
	[sflag:s10] =	ssyncpa.u1 $0x0;
	s10 =	simm.s32 $0x0;
	s9 =	sadd.s32 $0x1, s7  }
.LBB2_4:
0xc: {  	v2 =	vnsel vm1, $0x0, v2  }
0xd: {  	vm1 =	vgt.s32 v0, $0x0;
	v2 =	vmin.u32 v2, $0x1869F  }
0xe: {  	v0 =	vnsel vm1, $0x0, v0  }
0xf: {  	v0 =	vmin.u32 v0, $0x1869F  }
0x10: {  	[tilespmem:s18], [sflag:$0x1] =	stream.indirect_vreg.gather [hbm4b:s2+s10], $0x1, v1, vm0, $0x4038;
	[tilespmem:$0x140] =	vst v63  }
0x11: {  	(ifvalue) =	ssetifvalue $0x7FFFFFFF  }
0x12: {  	[tilespmem:s15], [sflag:$0x1] =	stream.indirect_vreg.gather [hbm4b:s2+s10], $0x1, v2, vm0, $0x4038;
	[tilespmem:$0x140] =	vst v63  }
0x13: {  	s29 =	sadd.s32 $0x10, s15;
	(ifvalue) =	ssetifvalue $0x7FFFFFFF  }
0x14: {  	[tilespmem:s29], [sflag:$0x1] =	stream.indirect_vreg.gather [hbm4b:s2+s10], $0x1, v0, vm0, $0x4038;
	[tilespmem:$0x140] =	vst v63  }
0x15: {  	_ =	swait.ge [sflag:s5], $0x50  }
0x16: {  	s30 =	sshrl.u32 s13, $0x3;
	[sflag:s5] =	ssyncset.done $0x0  }
0x17: {  	s31 =	sand.u32 $0x7, s13;
	s15 =	sadd.s32 s8, s30;
	[sflag:s5] =	ssyncadd.s32 $0xFFFFFFB0  }
0x18: {  	[hbm4b:s15+s31] =	stream.linear.scatter [tilespmem:s14], [sflag:$0x3], $0x50, $0x38;
	[tilespmem:$0x140] =	vst v63  }
.LBB2_5:
0x19: {  	s15 =	sadd.s32 $0x500, s11  }
0x1a: {  	p1 =	sgt.s32 s15, $0x7CF  }
0x1b: {  	s15 =	smov.u32 @p1 s4;
	p1 =	sne.s32 s12, s9  }
.Ltmp1:
0x1c: {  	p0 =	slt.u32 s12, $0x2;
	(pc) =	sbr.rel @!p1 .LBB2_6-.Ltmp1, $4  }
0x1d: {  	s14 =	simm.s32 @!p0 $0x3  }
0x1e: {  	_ =	swait.ge @!p0 [sflag:s14], $0x50  }
0x1f: {  	s16 =	sadd.s32 $0x1, s12;
	s13 =	smov.u32 s11;
	[sflag:s14] =	ssyncset.done @!p0 $0x0  }
0x20: {  	s12 =	smov.u32 s16;
	s11 =	smov.u32 s15;
	[sflag:s14] =	ssyncadd.s32 @!p0 $0xFFFFFFB0  }
.LBB2_1:
0x21: {  	p0 =	sge.u32 s12, s7  }
0x22: {  	s14 =	sxor.u32 @!p0 $0x1, s12  }
0x23: {  	s14 =	smul.u32 @!p0 $0x140, s14  }
0x24: {  	s31 =	sadd.s32 $0xFFFFFFFF, s12;
	s15 =	sshrl.u32 @!p0 s11, $0x3  }
0x25: {  	s16 =	sand.u32 @!p0 $0x7, s11;
	s15 =	sadd.s32 @!p0 s3, s15;
	s14 =	sshra.s32 @!p0 s14, $0x2  }
0x26: {  	[tilespmem:s14], [sflag:$0x2] =	stream.linear.gather @!p0 [hbm4b:s15+s16], $0x50, $0x38;
	[tilespmem:$0x140] =	vst v63  }
0x27: {  	p0 =	sge.u32 s31, s7  }
.Ltmp2:
0x28: {  	_ = 	snop;
	(pc) =	sbr.rel @p0 .LBB2_5-.Ltmp2, $1  }
0x29: {  	_ =	sdelay $0x3  }
0x2a: {  	s14 =	sand.u32 $0x1, s12  }
0x2b: {  	_ =	swait.ge [sflag:s6], $0x50;
	p0 =	seq.s32 s14, $0x1;
	s14 =	simm.s32 $0x50  }
0x2c: {  	[sflag:s6] =	ssyncset.done $0x0;
	s14 =	simm.s32 @!p0 $0x0  }
0x2d: {  	[sflag:s6] =	ssyncadd.s32 $0xFFFFFFB0;
	(ifvalue) =	ssetifvalue $0x7FFFFFFF;
	v0 =	vld.msk [tilespmem:s14+$0x0 ss:$0x1], $0xffff;
	_ =	sdelay $0x4  }
0x2e: {  	s15 =	sadd.s32 $0x10, s14;
	vm1 =	vgt.s32 v0, $0x0  }
0x2f: {  	v2 =	vld.msk [tilespmem:s15+$0x0 ss:$0x1], $0xffff;
	v1 =	vnsel vm1, $0x0, v0  }
0x30: {  	v1 =	vmin.u32 v1, $0x1869F;
	_ =	sdelay $0x2  }
0x31: {  	s17 =	simm.s32 $0x20;
	s14 =	sor.u32 $0xA0, s14;
	s16 =	sadd.s32 $0x10, s15  }
0x32: {  	s15 =	sadd.s32 $0x10, s14;
	s18 =	smov.u32 s14;
	v0 =	vld.msk [tilespmem:s16+$0x0 ss:$0x1], $0xffff;
	vm1 =	vgt.s32 v2, $0x0;
	(ifvalue) =	ssetifvalue $0x7FFFFFFF  }
.LBB2_3:
0x33: {  	[tilespmem:s18], [sflag:$0x1] =	stream.indirect_vreg.gather [hbm4b:s2+s10], $0x1, v1, vm0, $0x4038;
	[tilespmem:$0x140] =	vst v63  }
0x34: {  	s17 =	sadd.s32 $0x10, s17  }
0x35: {  	v2 =	vnsel vm1, $0x0, v2;
	p0 =	slt.u32 s17, $0x40  }
.Ltmp3:
0x36: {  	s18 =	smov.u32 s15;
	v1 =	vmin.u32 v2, $0x1869F;
	(pc) =	sbr.rel @p0 .LBB2_3-.Ltmp3, $3  }
0x37: {  	_ =	sdelay $0x1  }
0x38: {  	s16 =	sadd.s32 $0x10, s16  }
0x39: {  	vm1 =	vgt.s32 v0, $0x0;
	s15 =	sadd.s32 $0x10, s15;
	v2 =	vmov v0;
	(ifvalue) =	ssetifvalue $0x7FFFFFFF;
	v0 =	vld.msk [tilespmem:s16+$0x0 ss:$0x1], $0xffff  }
.Ltmp4:
0x3a: {  	_ = 	snop;
	(pc) =	sbr.rel .LBB2_4-.Ltmp4, $1  }
0x3b: {  	_ =	sdelay $0x3  }
.LBB2_6:
0x3c: {  	_ =	sfence.sel $0x180000  }
0x3d: {  	s2 =	simm.s32 $0x2;
	[bflag:$0x0] =	sbarrier.arrive $0xFFFF  }
0x3e: {  	s30 =	simm.s32 $0x3;
	[sflag:s2] =	ssyncpa.u1 $0x1  }
0x3f: {  	s31 =	simm.s32 $0x1;
	[sflag:s30] =	ssyncpa.u1 $0x1  }
0x40: {  	[sflag:s31] =	ssyncpa.u1 $0x1  }
0x41: {  	p0 =	sne.s32 s1, $0x0;
	_ =	strace $0x90000047  }
0x42: {  	s0 =	sadd.s32 @!p0 $0x100000, s0;
	[bflag:$0x2] =	sbarrier.arrive $0xFFFF  }
0x43: {  	[sflag:s0] =	ssyncadd.tile.s32 @!p0 $0x1;
	_ =	shalt  }
.Lfunc_end2:
_tile_overlayer_lowered:
.L_overlay_start_2:
0x44: {  	(tag) =	ssettag $0x2  }
0x45: {  	s0 =	rddreg [dreg:$0x0];
	s2 =	stileid.u32  }
0x46: {  	s1 =	rddreg [dreg:$0x1];
	p0 =	sne.s32 s2, $0x0  }
0x47: {  	s3 =	rddreg [dreg:$0x2];
	[bflag:$0x3] =	sbarrier.arrive $0xFFFF;
	s2 =	simm.s32 @!p0 $0x1C01  }
0x48: {  	[timem:s3], [sflag:s2] =	dma.local @!p0 [hbm:s0], s1  }
0x49: {  	s0 =	simm.s32 @!p0 $0x1  }
0x4a: {  	_ =	swait.ge @!p0 [sflag:s0], s1  }
0x4b: {  	s1 =	ssub.s32 @!p0 $0x0, s1;
	[sflag:s0] =	ssyncset.done @!p0 $0x0  }
0x4c: {  	[sflag:s0] =	ssyncadd.s32 @!p0 s1  }
0x4d: {  	[bflag:$0x3] =	sbarrier.arrive $0xFFFF  }
0x4e: {  	_ =	shalt  }

</sc_bundles>
